<compile_context>
chip_gen: v7x
topology: tpu7x:2x2x1
jax: 0.10.2.dev20260603
libtpu: 0.0.44.dev20260713+nightly
codegen_flags: <defaults>
</compile_context>

<pallas_src>
import jax
import jax.numpy as jnp
from jax import lax
from jax.experimental import pallas as pl
from jax.experimental.pallas import tpu as pltpu
from jax.experimental.pallas import tpu_sc as plsc

B = 16384
D = 32
NC = 2
NS = 16
NW = NC * NS
R = B // NW
CH = 128
NCH = R // CH


def _sc_gather_body(uids, iids, uemb, iemb, ubias, ibias,
                    u_out, v_out, ub_out, ib_out,
                    uidx, iidx, urows, vrows, ubr, ibr, sem):
    wid = lax.axis_index("s") * NC + lax.axis_index("c")
    base = wid * R
    pltpu.sync_copy(uids.at[pl.ds(base, R)], uidx)
    pltpu.sync_copy(iids.at[pl.ds(base, R)], iidx)
    copies = []
    for j in range(NCH):
        sl = pl.ds(j * CH, CH)
        copies.append(pltpu.async_copy(uemb.at[uidx.at[sl]], urows.at[sl], sem))
        copies.append(pltpu.async_copy(iemb.at[iidx.at[sl]], vrows.at[sl], sem))
        copies.append(pltpu.async_copy(ubias.at[uidx.at[sl]], ubr.at[sl], sem))
        copies.append(pltpu.async_copy(ibias.at[iidx.at[sl]], ibr.at[sl], sem))
    for c in copies:
        c.wait()
    pltpu.sync_copy(urows, u_out.at[pl.ds(base, R)])
    pltpu.sync_copy(vrows, v_out.at[pl.ds(base, R)])
    pltpu.sync_copy(ubr, ub_out.at[pl.ds(base, R)])
    pltpu.sync_copy(ibr, ib_out.at[pl.ds(base, R)])


def _make_sc_gather():
    return pl.kernel(
        _sc_gather_body,
        out_type=(
            jax.ShapeDtypeStruct((B, D), jnp.float32),
            jax.ShapeDtypeStruct((B, D), jnp.float32),
            jax.ShapeDtypeStruct((B,), jnp.float32),
            jax.ShapeDtypeStruct((B,), jnp.float32),
        ),
        mesh=plsc.VectorSubcoreMesh(core_axis_name="c", subcore_axis_name="s",
                                    num_cores=NC, num_subcores=NS),
        scratch_types=[
            pltpu.VMEM((R,), jnp.int32),
            pltpu.VMEM((R,), jnp.int32),
            pltpu.VMEM((R, D), jnp.float32),
            pltpu.VMEM((R, D), jnp.float32),
            pltpu.VMEM((R,), jnp.float32),
            pltpu.VMEM((R,), jnp.float32),
            pltpu.SemaphoreType.DMA,
        ],
        compiler_params=pltpu.CompilerParams(use_tc_tiling_on_sc=False),
    )


BLK = 2048


def _tc_mlp_body(u_ref, v_ref, ub_ref, ib_ref, w1_ref, b1_ref, w2_ref, b2_ref,
                 pred_ref, score_ref):
    u = u_ref[...]
    v = v_ref[...]
    p = u * v
    pred_ref[...] = jnp.sum(p, axis=1) + ub_ref[...] + ib_ref[...]
    w1 = w1_ref[...]
    h = (jnp.dot(u, w1[0:D], preferred_element_type=jnp.float32)
         + jnp.dot(v, w1[D:2 * D], preferred_element_type=jnp.float32)
         + jnp.dot(p, w1[2 * D:3 * D], preferred_element_type=jnp.float32)
         + b1_ref[...])
    h = jnp.maximum(h, 0.0)
    score_ref[...] = (jnp.dot(h, w2_ref[...], preferred_element_type=jnp.float32)
                      + b2_ref[...])[:, 0]


def _tc_mlp(u, v, ub, ib, W1, b1, W2, b2):
    grid = B // BLK
    return pl.pallas_call(
        _tc_mlp_body,
        grid=(grid,),
        in_specs=[
            pl.BlockSpec((BLK, D), lambda i: (i, 0)),
            pl.BlockSpec((BLK, D), lambda i: (i, 0)),
            pl.BlockSpec((BLK,), lambda i: (i,)),
            pl.BlockSpec((BLK,), lambda i: (i,)),
            pl.BlockSpec((3 * D, 64), lambda i: (0, 0)),
            pl.BlockSpec((1, 64), lambda i: (0, 0)),
            pl.BlockSpec((64, 1), lambda i: (0, 0)),
            pl.BlockSpec((1, 1), lambda i: (0, 0)),
        ],
        out_specs=[
            pl.BlockSpec((BLK,), lambda i: (i,)),
            pl.BlockSpec((BLK,), lambda i: (i,)),
        ],
        out_shape=[
            jax.ShapeDtypeStruct((B,), jnp.float32),
            jax.ShapeDtypeStruct((B,), jnp.float32),
        ],
    )(u, v, ub, ib, W1, b1, W2, b2)


def kernel(user_ids, item_ids, user_emb, item_emb, user_bias, item_bias,
           W1, b1, W2, b2):
    u, v, ub, ib = _make_sc_gather()(user_ids, item_ids, user_emb, item_emb,
                                     user_bias.reshape(-1),
                                     item_bias.reshape(-1))
    return _tc_mlp(u, v, ub, ib, W1, b1.reshape(1, 64), W2, b2.reshape(1, 1))

# --- scband reference (transcript-rebuilt; emitter-appended) ---
"""Pipeline reference for scband-multi-task-net-75814762709355 (READ-ONLY COPY).

The authoritative reference and input builder live on the scoring server;
editing this copy changes nothing except your own understanding.
"""

import jax, jax.numpy as jnp
import numpy as np

NUM_USERS = 1000000
NUM_ITEMS = 1000000
EMB_DIM = 32
BATCH = 16384


def setup_inputs(seed: int = 0) -> dict:
    key = jax.random.key(seed)
    ks = jax.random.split(key, 12)
    user_ids = jax.random.randint(ks[0], (BATCH,), 0, NUM_USERS, dtype=jnp.int64 if jax.config.jax_enable_x64 else jnp.int32).astype(jnp.int32)
    item_ids = jax.random.randint(ks[1], (BATCH,), 0, NUM_ITEMS, dtype=jnp.int32)
    # ScaledEmbedding init: normal scaled by 1/embedding_dim
    user_emb = jax.random.normal(ks[2], (NUM_USERS, EMB_DIM), dtype=jnp.float32) / EMB_DIM
    item_emb = jax.random.normal(ks[3], (NUM_ITEMS, EMB_DIM), dtype=jnp.float32) / EMB_DIM
    # ZeroEmbedding init: zeros
    user_bias = jnp.zeros((NUM_USERS, 1), dtype=jnp.float32)
    item_bias = jnp.zeros((NUM_ITEMS, 1), dtype=jnp.float32)
    # MLP: Linear(96 -> 64), ReLU, Linear(64 -> 1)
    lim1 = 1.0 / np.sqrt(96.0)
    W1 = jax.random.uniform(ks[4], (96, 64), minval=-lim1, maxval=lim1, dtype=jnp.float32)
    b1 = jax.random.uniform(ks[5], (64,), minval=-lim1, maxval=lim1, dtype=jnp.float32)
    lim2 = 1.0 / np.sqrt(64.0)
    W2 = jax.random.uniform(ks[6], (64, 1), minval=-lim2, maxval=lim2, dtype=jnp.float32)
    b2 = jax.random.uniform(ks[7], (1,), minval=-lim2, maxval=lim2, dtype=jnp.float32)
    return {
        "user_ids": user_ids,
        "item_ids": item_ids,
        "user_emb": user_emb,
        "item_emb": item_emb,
        "user_bias": user_bias,
        "item_bias": item_bias,
        "W1": W1,
        "b1": b1,
        "W2": W2,
        "b2": b2,
    }


def reference(user_ids, item_ids, user_emb, item_emb, user_bias, item_bias, W1, b1, W2, b2):
    # embedding lookups (SparseCore gathers)
    u = jnp.take(user_emb, user_ids, axis=0)          # [B, D]
    v = jnp.take(item_emb, item_ids, axis=0)          # [B, D]
    ub = jnp.take(user_bias, user_ids, axis=0).squeeze(-1)  # [B]
    ib = jnp.take(item_bias, item_ids, axis=0).squeeze(-1)  # [B]
    predictions = jnp.sum(u * v, axis=1) + ub + ib    # [B]
    concat_latent = jnp.concatenate([u, v, u * v], axis=1)  # [B, 3D]
    h = jnp.maximum(concat_latent @ W1 + b1, 0.0)     # Linear + ReLU
    score = (h @ W2 + b2).squeeze(-1)                 # [B]
    return (predictions, score)

if __name__ == "__main__":
    import jax
    _d = setup_inputs()
    print(jax.jit(kernel)(*tuple(_d.values())))

</pallas_src>

<mosaic_0001>
#map = affine_map<(d0, d1) -> (0)>
#map1 = affine_map<(d0, d1) -> (0, 0)>
module attributes {stable_mosaic.version = 14 : i64} {
  func.func @_sc_gather_body(%arg0: i32, %arg1: i32, %arg2: memref<16384xi32, #tpu.memory_space<hbm>>, %arg3: memref<16384xi32, #tpu.memory_space<hbm>>, %arg4: memref<1000000x32xf32, #tpu.memory_space<hbm>>, %arg5: memref<1000000x32xf32, #tpu.memory_space<hbm>>, %arg6: memref<1000000xf32, #tpu.memory_space<hbm>>, %arg7: memref<1000000xf32, #tpu.memory_space<hbm>>, %arg8: memref<16384x32xf32, #tpu.memory_space<hbm>>, %arg9: memref<16384x32xf32, #tpu.memory_space<hbm>>, %arg10: memref<16384xf32, #tpu.memory_space<hbm>>, %arg11: memref<16384xf32, #tpu.memory_space<hbm>>, %arg12: memref<512xi32, #tpu.memory_space<vmem>>, %arg13: memref<512xi32, #tpu.memory_space<vmem>>, %arg14: memref<512x32xf32, #tpu.memory_space<vmem>>, %arg15: memref<512x32xf32, #tpu.memory_space<vmem>>, %arg16: memref<512xf32, #tpu.memory_space<vmem>>, %arg17: memref<512xf32, #tpu.memory_space<vmem>>, %arg18: memref<!tpu.dma_semaphore, #tpu.memory_space<semaphore_mem>>) attributes {dimension_semantics = [#tpu.dimension_semantics<core_parallel>, #tpu.dimension_semantics<subcore_parallel>], iteration_bounds = array<i64: 2, 16>, scalar_prefetch = 0 : i64, scratch_operands = 7 : i64, tpu.core_type = #tpu.core_type<sc_vector_subcore>, window_params = [{transform_indices = #map}, {transform_indices = #map}, {transform_indices = #map1}, {transform_indices = #map1}, {transform_indices = #map}, {transform_indices = #map}, {transform_indices = #map1}, {transform_indices = #map1}, {transform_indices = #map}, {transform_indices = #map}]} {
    %mul3A = arith.constant 2 : i32
    %mul3A_0 = arith.muli %arg1, %mul3A : i32
    %add3A = arith.addi %mul3A_0, %arg0 : i32
    %mul3A_1 = arith.constant 512 : i32
    %mul3A_2 = arith.muli %add3A, %mul3A_1 : i32
    "tpu.region"() ({
      %run_scoped3A = tpu.sem_alloc : memref<!tpu.dma_semaphore, #tpu.memory_space<semaphore_mem>>
      %dma_start3A_225 = tpu.memref_slice %arg2[%mul3A_2] : memref<16384xi32, #tpu.memory_space<hbm>> -> memref<512xi32, #tpu.memory_space<hbm>>
      %dma_start3A_226 = tpu.memref_slice %arg2[%mul3A_2] : memref<16384xi32, #tpu.memory_space<hbm>> -> memref<512xi32, #tpu.memory_space<hbm>>
      tpu.enqueue_dma source(%dma_start3A_226 : memref<512xi32, #tpu.memory_space<hbm>>) target(%arg12 : memref<512xi32, #tpu.memory_space<vmem>>) target_semaphore(%run_scoped3A : memref<!tpu.dma_semaphore, #tpu.memory_space<semaphore_mem>>)
      %dma_wait3A_227 = tpu.memref_slice %arg2[%mul3A_2] : memref<16384xi32, #tpu.memory_space<hbm>> -> memref<512xi32, #tpu.memory_space<hbm>>
      %dma_wait3A_228 = tpu.memref_slice %arg2[%mul3A_2] : memref<16384xi32, #tpu.memory_space<hbm>> -> memref<512xi32, #tpu.memory_space<hbm>>
      tpu.wait_dma2 semaphore(%run_scoped3A : memref<!tpu.dma_semaphore, #tpu.memory_space<semaphore_mem>>) src(%dma_wait3A_228 : memref<512xi32, #tpu.memory_space<hbm>>) dst(%arg12 : memref<512xi32, #tpu.memory_space<vmem>>)
      tpu.yield
    }) : () -> ()
    "tpu.region"() ({
      %run_scoped3A = tpu.sem_alloc : memref<!tpu.dma_semaphore, #tpu.memory_space<semaphore_mem>>
      %dma_start3A_225 = tpu.memref_slice %arg3[%mul3A_2] : memref<16384xi32, #tpu.memory_space<hbm>> -> memref<512xi32, #tpu.memory_space<hbm>>
      %dma_start3A_226 = tpu.memref_slice %arg3[%mul3A_2] : memref<16384xi32, #tpu.memory_space<hbm>> -> memref<512xi32, #tpu.memory_space<hbm>>
      tpu.enqueue_dma source(%dma_start3A_226 : memref<512xi32, #tpu.memory_space<hbm>>) target(%arg13 : memref<512xi32, #tpu.memory_space<vmem>>) target_semaphore(%run_scoped3A : memref<!tpu.dma_semaphore, #tpu.memory_space<semaphore_mem>>)
      %dma_wait3A_227 = tpu.memref_slice %arg3[%mul3A_2] : memref<16384xi32, #tpu.memory_space<hbm>> -> memref<512xi32, #tpu.memory_space<hbm>>
      %dma_wait3A_228 = tpu.memref_slice %arg3[%mul3A_2] : memref<16384xi32, #tpu.memory_space<hbm>> -> memref<512xi32, #tpu.memory_space<hbm>>
      tpu.wait_dma2 semaphore(%run_scoped3A : memref<!tpu.dma_semaphore, #tpu.memory_space<semaphore_mem>>) src(%dma_wait3A_228 : memref<512xi32, #tpu.memory_space<hbm>>) dst(%arg13 : memref<512xi32, #tpu.memory_space<vmem>>)
      tpu.yield
    }) : () -> ()
    %dma_start3A = arith.constant 0 : i32
    %dma_start3A_3 = arith.constant 0 : i32
    %dma_start3A_4 = tpu.memref_slice %arg14[%dma_start3A, %dma_start3A_3] : memref<512x32xf32, #tpu.memory_space<vmem>> -> memref<128x32xf32, #tpu.memory_space<vmem>>
    %dma_start3A_5 = arith.constant 0 : i32
    %dma_start3A_6 = tpu.memref_slice %arg12[%dma_start3A_5] : memref<512xi32, #tpu.memory_space<vmem>> -> memref<128xi32, #tpu.memory_space<vmem>>
    %dma_start3A_7 = arith.constant 0 : i32
    %dma_start3A_8 = arith.constant 0 : i32
    %dma_start3A_9 = tpu.memref_slice %arg4[%dma_start3A_7, %dma_start3A_8] : memref<1000000x32xf32, #tpu.memory_space<hbm>> -> memref<1000000x32xf32, #tpu.memory_space<hbm>>
    tpu.enqueue_indirect_dma source(%dma_start3A_9 : memref<1000000x32xf32, #tpu.memory_space<hbm>>) target(%dma_start3A_4 : memref<128x32xf32, #tpu.memory_space<vmem>>) offsets(%dma_start3A_6 : memref<128xi32, #tpu.memory_space<vmem>>) semaphore(%arg18 : memref<!tpu.dma_semaphore, #tpu.memory_space<semaphore_mem>>)
    %dma_start3A_10 = arith.constant 0 : i32
    %dma_start3A_11 = arith.constant 0 : i32
    %dma_start3A_12 = tpu.memref_slice %arg15[%dma_start3A_10, %dma_start3A_11] : memref<512x32xf32, #tpu.memory_space<vmem>> -> memref<128x32xf32, #tpu.memory_space<vmem>>
    %dma_start3A_13 = arith.constant 0 : i32
    %dma_start3A_14 = tpu.memref_slice %arg13[%dma_start3A_13] : memref<512xi32, #tpu.memory_space<vmem>> -> memref<128xi32, #tpu.memory_space<vmem>>
    %dma_start3A_15 = arith.constant 0 : i32
    %dma_start3A_16 = arith.constant 0 : i32
    %dma_start3A_17 = tpu.memref_slice %arg5[%dma_start3A_15, %dma_start3A_16] : memref<1000000x32xf32, #tpu.memory_space<hbm>> -> memref<1000000x32xf32, #tpu.memory_space<hbm>>
    tpu.enqueue_indirect_dma source(%dma_start3A_17 : memref<1000000x32xf32, #tpu.memory_space<hbm>>) target(%dma_start3A_12 : memref<128x32xf32, #tpu.memory_space<vmem>>) offsets(%dma_start3A_14 : memref<128xi32, #tpu.memory_space<vmem>>) semaphore(%arg18 : memref<!tpu.dma_semaphore, #tpu.memory_space<semaphore_mem>>)
    %dma_start3A_18 = arith.constant 0 : i32
    %dma_start3A_19 = tpu.memref_slice %arg16[%dma_start3A_18] : memref<512xf32, #tpu.memory_space<vmem>> -> memref<128xf32, #tpu.memory_space<vmem>>
    %dma_start3A_20 = arith.constant 0 : i32
    %dma_start3A_21 = tpu.memref_slice %arg12[%dma_start3A_20] : memref<512xi32, #tpu.memory_space<vmem>> -> memref<128xi32, #tpu.memory_space<vmem>>
    %dma_start3A_22 = arith.constant 0 : i32
    %dma_start3A_23 = tpu.memref_slice %arg6[%dma_start3A_22] : memref<1000000xf32, #tpu.memory_space<hbm>> -> memref<1000000xf32, #tpu.memory_space<hbm>>
    tpu.enqueue_indirect_dma source(%dma_start3A_23 : memref<1000000xf32, #tpu.memory_space<hbm>>) target(%dma_start3A_19 : memref<128xf32, #tpu.memory_space<vmem>>) offsets(%dma_start3A_21 : memref<128xi32, #tpu.memory_space<vmem>>) semaphore(%arg18 : memref<!tpu.dma_semaphore, #tpu.memory_space<semaphore_mem>>)
    %dma_start3A_24 = arith.constant 0 : i32
    %dma_start3A_25 = tpu.memref_slice %arg17[%dma_start3A_24] : memref<512xf32, #tpu.memory_space<vmem>> -> memref<128xf32, #tpu.memory_space<vmem>>
    %dma_start3A_26 = arith.constant 0 : i32
    %dma_start3A_27 = tpu.memref_slice %arg13[%dma_start3A_26] : memref<512xi32, #tpu.memory_space<vmem>> -> memref<128xi32, #tpu.memory_space<vmem>>
    %dma_start3A_28 = arith.constant 0 : i32
    %dma_start3A_29 = tpu.memref_slice %arg7[%dma_start3A_28] : memref<1000000xf32, #tpu.memory_space<hbm>> -> memref<1000000xf32, #tpu.memory_space<hbm>>
    tpu.enqueue_indirect_dma source(%dma_start3A_29 : memref<1000000xf32, #tpu.memory_space<hbm>>) target(%dma_start3A_25 : memref<128xf32, #tpu.memory_space<vmem>>) offsets(%dma_start3A_27 : memref<128xi32, #tpu.memory_space<vmem>>) semaphore(%arg18 : memref<!tpu.dma_semaphore, #tpu.memory_space<semaphore_mem>>)
    %dma_start3A_30 = arith.constant 128 : i32
    %dma_start3A_31 = arith.constant 0 : i32
    %dma_start3A_32 = tpu.memref_slice %arg14[%dma_start3A_30, %dma_start3A_31] : memref<512x32xf32, #tpu.memory_space<vmem>> -> memref<128x32xf32, #tpu.memory_space<vmem>>
    %dma_start3A_33 = arith.constant 128 : i32
    %dma_start3A_34 = tpu.memref_slice %arg12[%dma_start3A_33] : memref<512xi32, #tpu.memory_space<vmem>> -> memref<128xi32, #tpu.memory_space<vmem>>
    %dma_start3A_35 = arith.constant 0 : i32
    %dma_start3A_36 = arith.constant 0 : i32
    %dma_start3A_37 = tpu.memref_slice %arg4[%dma_start3A_35, %dma_start3A_36] : memref<1000000x32xf32, #tpu.memory_space<hbm>> -> memref<1000000x32xf32, #tpu.memory_space<hbm>>
    tpu.enqueue_indirect_dma source(%dma_start3A_37 : memref<1000000x32xf32, #tpu.memory_space<hbm>>) target(%dma_start3A_32 : memref<128x32xf32, #tpu.memory_space<vmem>>) offsets(%dma_start3A_34 : memref<128xi32, #tpu.memory_space<vmem>>) semaphore(%arg18 : memref<!tpu.dma_semaphore, #tpu.memory_space<semaphore_mem>>)
    %dma_start3A_38 = arith.constant 128 : i32
    %dma_start3A_39 = arith.constant 0 : i32
    %dma_start3A_40 = tpu.memref_slice %arg15[%dma_start3A_38, %dma_start3A_39] : memref<512x32xf32, #tpu.memory_space<vmem>> -> memref<128x32xf32, #tpu.memory_space<vmem>>
    %dma_start3A_41 = arith.constant 128 : i32
    %dma_start3A_42 = tpu.memref_slice %arg13[%dma_start3A_41] : memref<512xi32, #tpu.memory_space<vmem>> -> memref<128xi32, #tpu.memory_space<vmem>>
    %dma_start3A_43 = arith.constant 0 : i32
    %dma_start3A_44 = arith.constant 0 : i32
    %dma_start3A_45 = tpu.memref_slice %arg5[%dma_start3A_43, %dma_start3A_44] : memref<1000000x32xf32, #tpu.memory_space<hbm>> -> memref<1000000x32xf32, #tpu.memory_space<hbm>>
    tpu.enqueue_indirect_dma source(%dma_start3A_45 : memref<1000000x32xf32, #tpu.memory_space<hbm>>) target(%dma_start3A_40 : memref<128x32xf32, #tpu.memory_space<vmem>>) offsets(%dma_start3A_42 : memref<128xi32, #tpu.memory_space<vmem>>) semaphore(%arg18 : memref<!tpu.dma_semaphore, #tpu.memory_space<semaphore_mem>>)
    %dma_start3A_46 = arith.constant 128 : i32
    %dma_start3A_47 = tpu.memref_slice %arg16[%dma_start3A_46] : memref<512xf32, #tpu.memory_space<vmem>> -> memref<128xf32, #tpu.memory_space<vmem>>
    %dma_start3A_48 = arith.constant 128 : i32
    %dma_start3A_49 = tpu.memref_slice %arg12[%dma_start3A_48] : memref<512xi32, #tpu.memory_space<vmem>> -> memref<128xi32, #tpu.memory_space<vmem>>
    %dma_start3A_50 = arith.constant 0 : i32
    %dma_start3A_51 = tpu.memref_slice %arg6[%dma_start3A_50] : memref<1000000xf32, #tpu.memory_space<hbm>> -> memref<1000000xf32, #tpu.memory_space<hbm>>
    tpu.enqueue_indirect_dma source(%dma_start3A_51 : memref<1000000xf32, #tpu.memory_space<hbm>>) target(%dma_start3A_47 : memref<128xf32, #tpu.memory_space<vmem>>) offsets(%dma_start3A_49 : memref<128xi32, #tpu.memory_space<vmem>>) semaphore(%arg18 : memref<!tpu.dma_semaphore, #tpu.memory_space<semaphore_mem>>)
    %dma_start3A_52 = arith.constant 128 : i32
    %dma_start3A_53 = tpu.memref_slice %arg17[%dma_start3A_52] : memref<512xf32, #tpu.memory_space<vmem>> -> memref<128xf32, #tpu.memory_space<vmem>>
    %dma_start3A_54 = arith.constant 128 : i32
    %dma_start3A_55 = tpu.memref_slice %arg13[%dma_start3A_54] : memref<512xi32, #tpu.memory_space<vmem>> -> memref<128xi32, #tpu.memory_space<vmem>>
    %dma_start3A_56 = arith.constant 0 : i32
    %dma_start3A_57 = tpu.memref_slice %arg7[%dma_start3A_56] : memref<1000000xf32, #tpu.memory_space<hbm>> -> memref<1000000xf32, #tpu.memory_space<hbm>>
    tpu.enqueue_indirect_dma source(%dma_start3A_57 : memref<1000000xf32, #tpu.memory_space<hbm>>) target(%dma_start3A_53 : memref<128xf32, #tpu.memory_space<vmem>>) offsets(%dma_start3A_55 : memref<128xi32, #tpu.memory_space<vmem>>) semaphore(%arg18 : memref<!tpu.dma_semaphore, #tpu.memory_space<semaphore_mem>>)
    %dma_start3A_58 = arith.constant 256 : i32
    %dma_start3A_59 = arith.constant 0 : i32
    %dma_start3A_60 = tpu.memref_slice %arg14[%dma_start3A_58, %dma_start3A_59] : memref<512x32xf32, #tpu.memory_space<vmem>> -> memref<128x32xf32, #tpu.memory_space<vmem>>
    %dma_start3A_61 = arith.constant 256 : i32
    %dma_start3A_62 = tpu.memref_slice %arg12[%dma_start3A_61] : memref<512xi32, #tpu.memory_space<vmem>> -> memref<128xi32, #tpu.memory_space<vmem>>
    %dma_start3A_63 = arith.constant 0 : i32
    %dma_start3A_64 = arith.constant 0 : i32
    %dma_start3A_65 = tpu.memref_slice %arg4[%dma_start3A_63, %dma_start3A_64] : memref<1000000x32xf32, #tpu.memory_space<hbm>> -> memref<1000000x32xf32, #tpu.memory_space<hbm>>
    tpu.enqueue_indirect_dma source(%dma_start3A_65 : memref<1000000x32xf32, #tpu.memory_space<hbm>>) target(%dma_start3A_60 : memref<128x32xf32, #tpu.memory_space<vmem>>) offsets(%dma_start3A_62 : memref<128xi32, #tpu.memory_space<vmem>>) semaphore(%arg18 : memref<!tpu.dma_semaphore, #tpu.memory_space<semaphore_mem>>)
    %dma_start3A_66 = arith.constant 256 : i32
    %dma_start3A_67 = arith.constant 0 : i32
    %dma_start3A_68 = tpu.memref_slice %arg15[%dma_start3A_66, %dma_start3A_67] : memref<512x32xf32, #tpu.memory_space<vmem>> -> memref<128x32xf32, #tpu.memory_space<vmem>>
    %dma_start3A_69 = arith.constant 256 : i32
    %dma_start3A_70 = tpu.memref_slice %arg13[%dma_start3A_69] : memref<512xi32, #tpu.memory_space<vmem>> -> memref<128xi32, #tpu.memory_space<vmem>>
    %dma_start3A_71 = arith.constant 0 : i32
    %dma_start3A_72 = arith.constant 0 : i32
    %dma_start3A_73 = tpu.memref_slice %arg5[%dma_start3A_71, %dma_start3A_72] : memref<1000000x32xf32, #tpu.memory_space<hbm>> -> memref<1000000x32xf32, #tpu.memory_space<hbm>>
    tpu.enqueue_indirect_dma source(%dma_start3A_73 : memref<1000000x32xf32, #tpu.memory_space<hbm>>) target(%dma_start3A_68 : memref<128x32xf32, #tpu.memory_space<vmem>>) offsets(%dma_start3A_70 : memref<128xi32, #tpu.memory_space<vmem>>) semaphore(%arg18 : memref<!tpu.dma_semaphore, #tpu.memory_space<semaphore_mem>>)
    %dma_start3A_74 = arith.constant 256 : i32
    %dma_start3A_75 = tpu.memref_slice %arg16[%dma_start3A_74] : memref<512xf32, #tpu.memory_space<vmem>> -> memref<128xf32, #tpu.memory_space<vmem>>
    %dma_start3A_76 = arith.constant 256 : i32
    %dma_start3A_77 = tpu.memref_slice %arg12[%dma_start3A_76] : memref<512xi32, #tpu.memory_space<vmem>> -> memref<128xi32, #tpu.memory_space<vmem>>
    %dma_start3A_78 = arith.constant 0 : i32
    %dma_start3A_79 = tpu.memref_slice %arg6[%dma_start3A_78] : memref<1000000xf32, #tpu.memory_space<hbm>> -> memref<1000000xf32, #tpu.memory_space<hbm>>
    tpu.enqueue_indirect_dma source(%dma_start3A_79 : memref<1000000xf32, #tpu.memory_space<hbm>>) target(%dma_start3A_75 : memref<128xf32, #tpu.memory_space<vmem>>) offsets(%dma_start3A_77 : memref<128xi32, #tpu.memory_space<vmem>>) semaphore(%arg18 : memref<!tpu.dma_semaphore, #tpu.memory_space<semaphore_mem>>)
    %dma_start3A_80 = arith.constant 256 : i32
    %dma_start3A_81 = tpu.memref_slice %arg17[%dma_start3A_80] : memref<512xf32, #tpu.memory_space<vmem>> -> memref<128xf32, #tpu.memory_space<vmem>>
    %dma_start3A_82 = arith.constant 256 : i32
    %dma_start3A_83 = tpu.memref_slice %arg13[%dma_start3A_82] : memref<512xi32, #tpu.memory_space<vmem>> -> memref<128xi32, #tpu.memory_space<vmem>>
    %dma_start3A_84 = arith.constant 0 : i32
    %dma_start3A_85 = tpu.memref_slice %arg7[%dma_start3A_84] : memref<1000000xf32, #tpu.memory_space<hbm>> -> memref<1000000xf32, #tpu.memory_space<hbm>>
    tpu.enqueue_indirect_dma source(%dma_start3A_85 : memref<1000000xf32, #tpu.memory_space<hbm>>) target(%dma_start3A_81 : memref<128xf32, #tpu.memory_space<vmem>>) offsets(%dma_start3A_83 : memref<128xi32, #tpu.memory_space<vmem>>) semaphore(%arg18 : memref<!tpu.dma_semaphore, #tpu.memory_space<semaphore_mem>>)
    %dma_start3A_86 = arith.constant 384 : i32
    %dma_start3A_87 = arith.constant 0 : i32
    %dma_start3A_88 = tpu.memref_slice %arg14[%dma_start3A_86, %dma_start3A_87] : memref<512x32xf32, #tpu.memory_space<vmem>> -> memref<128x32xf32, #tpu.memory_space<vmem>>
    %dma_start3A_89 = arith.constant 384 : i32
    %dma_start3A_90 = tpu.memref_slice %arg12[%dma_start3A_89] : memref<512xi32, #tpu.memory_space<vmem>> -> memref<128xi32, #tpu.memory_space<vmem>>
    %dma_start3A_91 = arith.constant 0 : i32
    %dma_start3A_92 = arith.constant 0 : i32
    %dma_start3A_93 = tpu.memref_slice %arg4[%dma_start3A_91, %dma_start3A_92] : memref<1000000x32xf32, #tpu.memory_space<hbm>> -> memref<1000000x32xf32, #tpu.memory_space<hbm>>
    tpu.enqueue_indirect_dma source(%dma_start3A_93 : memref<1000000x32xf32, #tpu.memory_space<hbm>>) target(%dma_start3A_88 : memref<128x32xf32, #tpu.memory_space<vmem>>) offsets(%dma_start3A_90 : memref<128xi32, #tpu.memory_space<vmem>>) semaphore(%arg18 : memref<!tpu.dma_semaphore, #tpu.memory_space<semaphore_mem>>)
    %dma_start3A_94 = arith.constant 384 : i32
    %dma_start3A_95 = arith.constant 0 : i32
    %dma_start3A_96 = tpu.memref_slice %arg15[%dma_start3A_94, %dma_start3A_95] : memref<512x32xf32, #tpu.memory_space<vmem>> -> memref<128x32xf32, #tpu.memory_space<vmem>>
    %dma_start3A_97 = arith.constant 384 : i32
    %dma_start3A_98 = tpu.memref_slice %arg13[%dma_start3A_97] : memref<512xi32, #tpu.memory_space<vmem>> -> memref<128xi32, #tpu.memory_space<vmem>>
    %dma_start3A_99 = arith.constant 0 : i32
    %dma_start3A_100 = arith.constant 0 : i32
    %dma_start3A_101 = tpu.memref_slice %arg5[%dma_start3A_99, %dma_start3A_100] : memref<1000000x32xf32, #tpu.memory_space<hbm>> -> memref<1000000x32xf32, #tpu.memory_space<hbm>>
    tpu.enqueue_indirect_dma source(%dma_start3A_101 : memref<1000000x32xf32, #tpu.memory_space<hbm>>) target(%dma_start3A_96 : memref<128x32xf32, #tpu.memory_space<vmem>>) offsets(%dma_start3A_98 : memref<128xi32, #tpu.memory_space<vmem>>) semaphore(%arg18 : memref<!tpu.dma_semaphore, #tpu.memory_space<semaphore_mem>>)
    %dma_start3A_102 = arith.constant 384 : i32
    %dma_start3A_103 = tpu.memref_slice %arg16[%dma_start3A_102] : memref<512xf32, #tpu.memory_space<vmem>> -> memref<128xf32, #tpu.memory_space<vmem>>
    %dma_start3A_104 = arith.constant 384 : i32
    %dma_start3A_105 = tpu.memref_slice %arg12[%dma_start3A_104] : memref<512xi32, #tpu.memory_space<vmem>> -> memref<128xi32, #tpu.memory_space<vmem>>
    %dma_start3A_106 = arith.constant 0 : i32
    %dma_start3A_107 = tpu.memref_slice %arg6[%dma_start3A_106] : memref<1000000xf32, #tpu.memory_space<hbm>> -> memref<1000000xf32, #tpu.memory_space<hbm>>
    tpu.enqueue_indirect_dma source(%dma_start3A_107 : memref<1000000xf32, #tpu.memory_space<hbm>>) target(%dma_start3A_103 : memref<128xf32, #tpu.memory_space<vmem>>) offsets(%dma_start3A_105 : memref<128xi32, #tpu.memory_space<vmem>>) semaphore(%arg18 : memref<!tpu.dma_semaphore, #tpu.memory_space<semaphore_mem>>)
    %dma_start3A_108 = arith.constant 384 : i32
    %dma_start3A_109 = tpu.memref_slice %arg17[%dma_start3A_108] : memref<512xf32, #tpu.memory_space<vmem>> -> memref<128xf32, #tpu.memory_space<vmem>>
    %dma_start3A_110 = arith.constant 384 : i32
    %dma_start3A_111 = tpu.memref_slice %arg13[%dma_start3A_110] : memref<512xi32, #tpu.memory_space<vmem>> -> memref<128xi32, #tpu.memory_space<vmem>>
    %dma_start3A_112 = arith.constant 0 : i32
    %dma_start3A_113 = tpu.memref_slice %arg7[%dma_start3A_112] : memref<1000000xf32, #tpu.memory_space<hbm>> -> memref<1000000xf32, #tpu.memory_space<hbm>>
    tpu.enqueue_indirect_dma source(%dma_start3A_113 : memref<1000000xf32, #tpu.memory_space<hbm>>) target(%dma_start3A_109 : memref<128xf32, #tpu.memory_space<vmem>>) offsets(%dma_start3A_111 : memref<128xi32, #tpu.memory_space<vmem>>) semaphore(%arg18 : memref<!tpu.dma_semaphore, #tpu.memory_space<semaphore_mem>>)
    %dma_wait3A = arith.constant 0 : i32
    %dma_wait3A_114 = arith.constant 0 : i32
    %dma_wait3A_115 = tpu.memref_slice %arg14[%dma_wait3A, %dma_wait3A_114] : memref<512x32xf32, #tpu.memory_space<vmem>> -> memref<128x32xf32, #tpu.memory_space<vmem>>
    %dma_wait3A_116 = arith.constant 0 : i32
    %dma_wait3A_117 = tpu.memref_slice %arg12[%dma_wait3A_116] : memref<512xi32, #tpu.memory_space<vmem>> -> memref<128xi32, #tpu.memory_space<vmem>>
    %dma_wait3A_118 = arith.constant 0 : i32
    %dma_wait3A_119 = arith.constant 0 : i32
    %dma_wait3A_120 = tpu.memref_slice %arg4[%dma_wait3A_118, %dma_wait3A_119] : memref<1000000x32xf32, #tpu.memory_space<hbm>> -> memref<1000000x32xf32, #tpu.memory_space<hbm>>
    tpu.wait_indirect_dma semaphore(%arg18 : memref<!tpu.dma_semaphore, #tpu.memory_space<semaphore_mem>>) src(%dma_wait3A_120 : memref<1000000x32xf32, #tpu.memory_space<hbm>>) dst(%dma_wait3A_115 : memref<128x32xf32, #tpu.memory_space<vmem>>)
    %dma_wait3A_121 = arith.constant 0 : i32
    %dma_wait3A_122 = arith.constant 0 : i32
    %dma_wait3A_123 = tpu.memref_slice %arg15[%dma_wait3A_121, %dma_wait3A_122] : memref<512x32xf32, #tpu.memory_space<vmem>> -> memref<128x32xf32, #tpu.memory_space<vmem>>
    %dma_wait3A_124 = arith.constant 0 : i32
    %dma_wait3A_125 = tpu.memref_slice %arg13[%dma_wait3A_124] : memref<512xi32, #tpu.memory_space<vmem>> -> memref<128xi32, #tpu.memory_space<vmem>>
    %dma_wait3A_126 = arith.constant 0 : i32
    %dma_wait3A_127 = arith.constant 0 : i32
    %dma_wait3A_128 = tpu.memref_slice %arg5[%dma_wait3A_126, %dma_wait3A_127] : memref<1000000x32xf32, #tpu.memory_space<hbm>> -> memref<1000000x32xf32, #tpu.memory_space<hbm>>
    tpu.wait_indirect_dma semaphore(%arg18 : memref<!tpu.dma_semaphore, #tpu.memory_space<semaphore_mem>>) src(%dma_wait3A_128 : memref<1000000x32xf32, #tpu.memory_space<hbm>>) dst(%dma_wait3A_123 : memref<128x32xf32, #tpu.memory_space<vmem>>)
    %dma_wait3A_129 = arith.constant 0 : i32
    %dma_wait3A_130 = tpu.memref_slice %arg16[%dma_wait3A_129] : memref<512xf32, #tpu.memory_space<vmem>> -> memref<128xf32, #tpu.memory_space<vmem>>
    %dma_wait3A_131 = arith.constant 0 : i32
    %dma_wait3A_132 = tpu.memref_slice %arg12[%dma_wait3A_131] : memref<512xi32, #tpu.memory_space<vmem>> -> memref<128xi32, #tpu.memory_space<vmem>>
    %dma_wait3A_133 = arith.constant 0 : i32
    %dma_wait3A_134 = tpu.memref_slice %arg6[%dma_wait3A_133] : memref<1000000xf32, #tpu.memory_space<hbm>> -> memref<1000000xf32, #tpu.memory_space<hbm>>
    tpu.wait_indirect_dma semaphore(%arg18 : memref<!tpu.dma_semaphore, #tpu.memory_space<semaphore_mem>>) src(%dma_wait3A_134 : memref<1000000xf32, #tpu.memory_space<hbm>>) dst(%dma_wait3A_130 : memref<128xf32, #tpu.memory_space<vmem>>)
    %dma_wait3A_135 = arith.constant 0 : i32
    %dma_wait3A_136 = tpu.memref_slice %arg17[%dma_wait3A_135] : memref<512xf32, #tpu.memory_space<vmem>> -> memref<128xf32, #tpu.memory_space<vmem>>
    %dma_wait3A_137 = arith.constant 0 : i32
    %dma_wait3A_138 = tpu.memref_slice %arg13[%dma_wait3A_137] : memref<512xi32, #tpu.memory_space<vmem>> -> memref<128xi32, #tpu.memory_space<vmem>>
    %dma_wait3A_139 = arith.constant 0 : i32
    %dma_wait3A_140 = tpu.memref_slice %arg7[%dma_wait3A_139] : memref<1000000xf32, #tpu.memory_space<hbm>> -> memref<1000000xf32, #tpu.memory_space<hbm>>
    tpu.wait_indirect_dma semaphore(%arg18 : memref<!tpu.dma_semaphore, #tpu.memory_space<semaphore_mem>>) src(%dma_wait3A_140 : memref<1000000xf32, #tpu.memory_space<hbm>>) dst(%dma_wait3A_136 : memref<128xf32, #tpu.memory_space<vmem>>)
    %dma_wait3A_141 = arith.constant 128 : i32
    %dma_wait3A_142 = arith.constant 0 : i32
    %dma_wait3A_143 = tpu.memref_slice %arg14[%dma_wait3A_141, %dma_wait3A_142] : memref<512x32xf32, #tpu.memory_space<vmem>> -> memref<128x32xf32, #tpu.memory_space<vmem>>
    %dma_wait3A_144 = arith.constant 128 : i32
    %dma_wait3A_145 = tpu.memref_slice %arg12[%dma_wait3A_144] : memref<512xi32, #tpu.memory_space<vmem>> -> memref<128xi32, #tpu.memory_space<vmem>>
    %dma_wait3A_146 = arith.constant 0 : i32
    %dma_wait3A_147 = arith.constant 0 : i32
    %dma_wait3A_148 = tpu.memref_slice %arg4[%dma_wait3A_146, %dma_wait3A_147] : memref<1000000x32xf32, #tpu.memory_space<hbm>> -> memref<1000000x32xf32, #tpu.memory_space<hbm>>
    tpu.wait_indirect_dma semaphore(%arg18 : memref<!tpu.dma_semaphore, #tpu.memory_space<semaphore_mem>>) src(%dma_wait3A_148 : memref<1000000x32xf32, #tpu.memory_space<hbm>>) dst(%dma_wait3A_143 : memref<128x32xf32, #tpu.memory_space<vmem>>)
    %dma_wait3A_149 = arith.constant 128 : i32
    %dma_wait3A_150 = arith.constant 0 : i32
    %dma_wait3A_151 = tpu.memref_slice %arg15[%dma_wait3A_149, %dma_wait3A_150] : memref<512x32xf32, #tpu.memory_space<vmem>> -> memref<128x32xf32, #tpu.memory_space<vmem>>
    %dma_wait3A_152 = arith.constant 128 : i32
    %dma_wait3A_153 = tpu.memref_slice %arg13[%dma_wait3A_152] : memref<512xi32, #tpu.memory_space<vmem>> -> memref<128xi32, #tpu.memory_space<vmem>>
    %dma_wait3A_154 = arith.constant 0 : i32
    %dma_wait3A_155 = arith.constant 0 : i32
    %dma_wait3A_156 = tpu.memref_slice %arg5[%dma_wait3A_154, %dma_wait3A_155] : memref<1000000x32xf32, #tpu.memory_space<hbm>> -> memref<1000000x32xf32, #tpu.memory_space<hbm>>
    tpu.wait_indirect_dma semaphore(%arg18 : memref<!tpu.dma_semaphore, #tpu.memory_space<semaphore_mem>>) src(%dma_wait3A_156 : memref<1000000x32xf32, #tpu.memory_space<hbm>>) dst(%dma_wait3A_151 : memref<128x32xf32, #tpu.memory_space<vmem>>)
    %dma_wait3A_157 = arith.constant 128 : i32
    %dma_wait3A_158 = tpu.memref_slice %arg16[%dma_wait3A_157] : memref<512xf32, #tpu.memory_space<vmem>> -> memref<128xf32, #tpu.memory_space<vmem>>
    %dma_wait3A_159 = arith.constant 128 : i32
    %dma_wait3A_160 = tpu.memref_slice %arg12[%dma_wait3A_159] : memref<512xi32, #tpu.memory_space<vmem>> -> memref<128xi32, #tpu.memory_space<vmem>>
    %dma_wait3A_161 = arith.constant 0 : i32
    %dma_wait3A_162 = tpu.memref_slice %arg6[%dma_wait3A_161] : memref<1000000xf32, #tpu.memory_space<hbm>> -> memref<1000000xf32, #tpu.memory_space<hbm>>
    tpu.wait_indirect_dma semaphore(%arg18 : memref<!tpu.dma_semaphore, #tpu.memory_space<semaphore_mem>>) src(%dma_wait3A_162 : memref<1000000xf32, #tpu.memory_space<hbm>>) dst(%dma_wait3A_158 : memref<128xf32, #tpu.memory_space<vmem>>)
    %dma_wait3A_163 = arith.constant 128 : i32
    %dma_wait3A_164 = tpu.memref_slice %arg17[%dma_wait3A_163] : memref<512xf32, #tpu.memory_space<vmem>> -> memref<128xf32, #tpu.memory_space<vmem>>
    %dma_wait3A_165 = arith.constant 128 : i32
    %dma_wait3A_166 = tpu.memref_slice %arg13[%dma_wait3A_165] : memref<512xi32, #tpu.memory_space<vmem>> -> memref<128xi32, #tpu.memory_space<vmem>>
    %dma_wait3A_167 = arith.constant 0 : i32
    %dma_wait3A_168 = tpu.memref_slice %arg7[%dma_wait3A_167] : memref<1000000xf32, #tpu.memory_space<hbm>> -> memref<1000000xf32, #tpu.memory_space<hbm>>
    tpu.wait_indirect_dma semaphore(%arg18 : memref<!tpu.dma_semaphore, #tpu.memory_space<semaphore_mem>>) src(%dma_wait3A_168 : memref<1000000xf32, #tpu.memory_space<hbm>>) dst(%dma_wait3A_164 : memref<128xf32, #tpu.memory_space<vmem>>)
    %dma_wait3A_169 = arith.constant 256 : i32
    %dma_wait3A_170 = arith.constant 0 : i32
    %dma_wait3A_171 = tpu.memref_slice %arg14[%dma_wait3A_169, %dma_wait3A_170] : memref<512x32xf32, #tpu.memory_space<vmem>> -> memref<128x32xf32, #tpu.memory_space<vmem>>
    %dma_wait3A_172 = arith.constant 256 : i32
    %dma_wait3A_173 = tpu.memref_slice %arg12[%dma_wait3A_172] : memref<512xi32, #tpu.memory_space<vmem>> -> memref<128xi32, #tpu.memory_space<vmem>>
    %dma_wait3A_174 = arith.constant 0 : i32
    %dma_wait3A_175 = arith.constant 0 : i32
    %dma_wait3A_176 = tpu.memref_slice %arg4[%dma_wait3A_174, %dma_wait3A_175] : memref<1000000x32xf32, #tpu.memory_space<hbm>> -> memref<1000000x32xf32, #tpu.memory_space<hbm>>
    tpu.wait_indirect_dma semaphore(%arg18 : memref<!tpu.dma_semaphore, #tpu.memory_space<semaphore_mem>>) src(%dma_wait3A_176 : memref<1000000x32xf32, #tpu.memory_space<hbm>>) dst(%dma_wait3A_171 : memref<128x32xf32, #tpu.memory_space<vmem>>)
    %dma_wait3A_177 = arith.constant 256 : i32
    %dma_wait3A_178 = arith.constant 0 : i32
    %dma_wait3A_179 = tpu.memref_slice %arg15[%dma_wait3A_177, %dma_wait3A_178] : memref<512x32xf32, #tpu.memory_space<vmem>> -> memref<128x32xf32, #tpu.memory_space<vmem>>
    %dma_wait3A_180 = arith.constant 256 : i32
    %dma_wait3A_181 = tpu.memref_slice %arg13[%dma_wait3A_180] : memref<512xi32, #tpu.memory_space<vmem>> -> memref<128xi32, #tpu.memory_space<vmem>>
    %dma_wait3A_182 = arith.constant 0 : i32
    %dma_wait3A_183 = arith.constant 0 : i32
    %dma_wait3A_184 = tpu.memref_slice %arg5[%dma_wait3A_182, %dma_wait3A_183] : memref<1000000x32xf32, #tpu.memory_space<hbm>> -> memref<1000000x32xf32, #tpu.memory_space<hbm>>
    tpu.wait_indirect_dma semaphore(%arg18 : memref<!tpu.dma_semaphore, #tpu.memory_space<semaphore_mem>>) src(%dma_wait3A_184 : memref<1000000x32xf32, #tpu.memory_space<hbm>>) dst(%dma_wait3A_179 : memref<128x32xf32, #tpu.memory_space<vmem>>)
    %dma_wait3A_185 = arith.constant 256 : i32
    %dma_wait3A_186 = tpu.memref_slice %arg16[%dma_wait3A_185] : memref<512xf32, #tpu.memory_space<vmem>> -> memref<128xf32, #tpu.memory_space<vmem>>
    %dma_wait3A_187 = arith.constant 256 : i32
    %dma_wait3A_188 = tpu.memref_slice %arg12[%dma_wait3A_187] : memref<512xi32, #tpu.memory_space<vmem>> -> memref<128xi32, #tpu.memory_space<vmem>>
    %dma_wait3A_189 = arith.constant 0 : i32
    %dma_wait3A_190 = tpu.memref_slice %arg6[%dma_wait3A_189] : memref<1000000xf32, #tpu.memory_space<hbm>> -> memref<1000000xf32, #tpu.memory_space<hbm>>
    tpu.wait_indirect_dma semaphore(%arg18 : memref<!tpu.dma_semaphore, #tpu.memory_space<semaphore_mem>>) src(%dma_wait3A_190 : memref<1000000xf32, #tpu.memory_space<hbm>>) dst(%dma_wait3A_186 : memref<128xf32, #tpu.memory_space<vmem>>)
    %dma_wait3A_191 = arith.constant 256 : i32
    %dma_wait3A_192 = tpu.memref_slice %arg17[%dma_wait3A_191] : memref<512xf32, #tpu.memory_space<vmem>> -> memref<128xf32, #tpu.memory_space<vmem>>
    %dma_wait3A_193 = arith.constant 256 : i32
    %dma_wait3A_194 = tpu.memref_slice %arg13[%dma_wait3A_193] : memref<512xi32, #tpu.memory_space<vmem>> -> memref<128xi32, #tpu.memory_space<vmem>>
    %dma_wait3A_195 = arith.constant 0 : i32
    %dma_wait3A_196 = tpu.memref_slice %arg7[%dma_wait3A_195] : memref<1000000xf32, #tpu.memory_space<hbm>> -> memref<1000000xf32, #tpu.memory_space<hbm>>
    tpu.wait_indirect_dma semaphore(%arg18 : memref<!tpu.dma_semaphore, #tpu.memory_space<semaphore_mem>>) src(%dma_wait3A_196 : memref<1000000xf32, #tpu.memory_space<hbm>>) dst(%dma_wait3A_192 : memref<128xf32, #tpu.memory_space<vmem>>)
    %dma_wait3A_197 = arith.constant 384 : i32
    %dma_wait3A_198 = arith.constant 0 : i32
    %dma_wait3A_199 = tpu.memref_slice %arg14[%dma_wait3A_197, %dma_wait3A_198] : memref<512x32xf32, #tpu.memory_space<vmem>> -> memref<128x32xf32, #tpu.memory_space<vmem>>
    %dma_wait3A_200 = arith.constant 384 : i32
    %dma_wait3A_201 = tpu.memref_slice %arg12[%dma_wait3A_200] : memref<512xi32, #tpu.memory_space<vmem>> -> memref<128xi32, #tpu.memory_space<vmem>>
    %dma_wait3A_202 = arith.constant 0 : i32
    %dma_wait3A_203 = arith.constant 0 : i32
    %dma_wait3A_204 = tpu.memref_slice %arg4[%dma_wait3A_202, %dma_wait3A_203] : memref<1000000x32xf32, #tpu.memory_space<hbm>> -> memref<1000000x32xf32, #tpu.memory_space<hbm>>
    tpu.wait_indirect_dma semaphore(%arg18 : memref<!tpu.dma_semaphore, #tpu.memory_space<semaphore_mem>>) src(%dma_wait3A_204 : memref<1000000x32xf32, #tpu.memory_space<hbm>>) dst(%dma_wait3A_199 : memref<128x32xf32, #tpu.memory_space<vmem>>)
    %dma_wait3A_205 = arith.constant 384 : i32
    %dma_wait3A_206 = arith.constant 0 : i32
    %dma_wait3A_207 = tpu.memref_slice %arg15[%dma_wait3A_205, %dma_wait3A_206] : memref<512x32xf32, #tpu.memory_space<vmem>> -> memref<128x32xf32, #tpu.memory_space<vmem>>
    %dma_wait3A_208 = arith.constant 384 : i32
    %dma_wait3A_209 = tpu.memref_slice %arg13[%dma_wait3A_208] : memref<512xi32, #tpu.memory_space<vmem>> -> memref<128xi32, #tpu.memory_space<vmem>>
    %dma_wait3A_210 = arith.constant 0 : i32
    %dma_wait3A_211 = arith.constant 0 : i32
    %dma_wait3A_212 = tpu.memref_slice %arg5[%dma_wait3A_210, %dma_wait3A_211] : memref<1000000x32xf32, #tpu.memory_space<hbm>> -> memref<1000000x32xf32, #tpu.memory_space<hbm>>
    tpu.wait_indirect_dma semaphore(%arg18 : memref<!tpu.dma_semaphore, #tpu.memory_space<semaphore_mem>>) src(%dma_wait3A_212 : memref<1000000x32xf32, #tpu.memory_space<hbm>>) dst(%dma_wait3A_207 : memref<128x32xf32, #tpu.memory_space<vmem>>)
    %dma_wait3A_213 = arith.constant 384 : i32
    %dma_wait3A_214 = tpu.memref_slice %arg16[%dma_wait3A_213] : memref<512xf32, #tpu.memory_space<vmem>> -> memref<128xf32, #tpu.memory_space<vmem>>
    %dma_wait3A_215 = arith.constant 384 : i32
    %dma_wait3A_216 = tpu.memref_slice %arg12[%dma_wait3A_215] : memref<512xi32, #tpu.memory_space<vmem>> -> memref<128xi32, #tpu.memory_space<vmem>>
    %dma_wait3A_217 = arith.constant 0 : i32
    %dma_wait3A_218 = tpu.memref_slice %arg6[%dma_wait3A_217] : memref<1000000xf32, #tpu.memory_space<hbm>> -> memref<1000000xf32, #tpu.memory_space<hbm>>
    tpu.wait_indirect_dma semaphore(%arg18 : memref<!tpu.dma_semaphore, #tpu.memory_space<semaphore_mem>>) src(%dma_wait3A_218 : memref<1000000xf32, #tpu.memory_space<hbm>>) dst(%dma_wait3A_214 : memref<128xf32, #tpu.memory_space<vmem>>)
    %dma_wait3A_219 = arith.constant 384 : i32
    %dma_wait3A_220 = tpu.memref_slice %arg17[%dma_wait3A_219] : memref<512xf32, #tpu.memory_space<vmem>> -> memref<128xf32, #tpu.memory_space<vmem>>
    %dma_wait3A_221 = arith.constant 384 : i32
    %dma_wait3A_222 = tpu.memref_slice %arg13[%dma_wait3A_221] : memref<512xi32, #tpu.memory_space<vmem>> -> memref<128xi32, #tpu.memory_space<vmem>>
    %dma_wait3A_223 = arith.constant 0 : i32
    %dma_wait3A_224 = tpu.memref_slice %arg7[%dma_wait3A_223] : memref<1000000xf32, #tpu.memory_space<hbm>> -> memref<1000000xf32, #tpu.memory_space<hbm>>
    tpu.wait_indirect_dma semaphore(%arg18 : memref<!tpu.dma_semaphore, #tpu.memory_space<semaphore_mem>>) src(%dma_wait3A_224 : memref<1000000xf32, #tpu.memory_space<hbm>>) dst(%dma_wait3A_220 : memref<128xf32, #tpu.memory_space<vmem>>)
    "tpu.region"() ({
      %run_scoped3A = tpu.sem_alloc : memref<!tpu.dma_semaphore, #tpu.memory_space<semaphore_mem>>
      %dma_start3A_225 = arith.constant 0 : i32
      %dma_start3A_226 = tpu.memref_slice %arg8[%mul3A_2, %dma_start3A_225] : memref<16384x32xf32, #tpu.memory_space<hbm>> -> memref<512x32xf32, #tpu.memory_space<hbm>>
      %dma_start3A_227 = arith.constant 0 : i32
      %dma_start3A_228 = tpu.memref_slice %arg8[%mul3A_2, %dma_start3A_227] : memref<16384x32xf32, #tpu.memory_space<hbm>> -> memref<512x32xf32, #tpu.memory_space<hbm>>
      tpu.enqueue_dma source(%arg14 : memref<512x32xf32, #tpu.memory_space<vmem>>) target(%dma_start3A_228 : memref<512x32xf32, #tpu.memory_space<hbm>>) target_semaphore(%run_scoped3A : memref<!tpu.dma_semaphore, #tpu.memory_space<semaphore_mem>>)
      %dma_wait3A_229 = arith.constant 0 : i32
      %dma_wait3A_230 = tpu.memref_slice %arg8[%mul3A_2, %dma_wait3A_229] : memref<16384x32xf32, #tpu.memory_space<hbm>> -> memref<512x32xf32, #tpu.memory_space<hbm>>
      %dma_wait3A_231 = arith.constant 0 : i32
      %dma_wait3A_232 = tpu.memref_slice %arg8[%mul3A_2, %dma_wait3A_231] : memref<16384x32xf32, #tpu.memory_space<hbm>> -> memref<512x32xf32, #tpu.memory_space<hbm>>
      tpu.wait_dma2 semaphore(%run_scoped3A : memref<!tpu.dma_semaphore, #tpu.memory_space<semaphore_mem>>) src(%arg14 : memref<512x32xf32, #tpu.memory_space<vmem>>) dst(%dma_wait3A_232 : memref<512x32xf32, #tpu.memory_space<hbm>>)
      tpu.yield
    }) : () -> ()
    "tpu.region"() ({
      %run_scoped3A = tpu.sem_alloc : memref<!tpu.dma_semaphore, #tpu.memory_space<semaphore_mem>>
      %dma_start3A_225 = arith.constant 0 : i32
      %dma_start3A_226 = tpu.memref_slice %arg9[%mul3A_2, %dma_start3A_225] : memref<16384x32xf32, #tpu.memory_space<hbm>> -> memref<512x32xf32, #tpu.memory_space<hbm>>
      %dma_start3A_227 = arith.constant 0 : i32
      %dma_start3A_228 = tpu.memref_slice %arg9[%mul3A_2, %dma_start3A_227] : memref<16384x32xf32, #tpu.memory_space<hbm>> -> memref<512x32xf32, #tpu.memory_space<hbm>>
      tpu.enqueue_dma source(%arg15 : memref<512x32xf32, #tpu.memory_space<vmem>>) target(%dma_start3A_228 : memref<512x32xf32, #tpu.memory_space<hbm>>) target_semaphore(%run_scoped3A : memref<!tpu.dma_semaphore, #tpu.memory_space<semaphore_mem>>)
      %dma_wait3A_229 = arith.constant 0 : i32
      %dma_wait3A_230 = tpu.memref_slice %arg9[%mul3A_2, %dma_wait3A_229] : memref<16384x32xf32, #tpu.memory_space<hbm>> -> memref<512x32xf32, #tpu.memory_space<hbm>>
      %dma_wait3A_231 = arith.constant 0 : i32
      %dma_wait3A_232 = tpu.memref_slice %arg9[%mul3A_2, %dma_wait3A_231] : memref<16384x32xf32, #tpu.memory_space<hbm>> -> memref<512x32xf32, #tpu.memory_space<hbm>>
      tpu.wait_dma2 semaphore(%run_scoped3A : memref<!tpu.dma_semaphore, #tpu.memory_space<semaphore_mem>>) src(%arg15 : memref<512x32xf32, #tpu.memory_space<vmem>>) dst(%dma_wait3A_232 : memref<512x32xf32, #tpu.memory_space<hbm>>)
      tpu.yield
    }) : () -> ()
    "tpu.region"() ({
      %run_scoped3A = tpu.sem_alloc : memref<!tpu.dma_semaphore, #tpu.memory_space<semaphore_mem>>
      %dma_start3A_225 = tpu.memref_slice %arg10[%mul3A_2] : memref<16384xf32, #tpu.memory_space<hbm>> -> memref<512xf32, #tpu.memory_space<hbm>>
      %dma_start3A_226 = tpu.memref_slice %arg10[%mul3A_2] : memref<16384xf32, #tpu.memory_space<hbm>> -> memref<512xf32, #tpu.memory_space<hbm>>
      tpu.enqueue_dma source(%arg16 : memref<512xf32, #tpu.memory_space<vmem>>) target(%dma_start3A_226 : memref<512xf32, #tpu.memory_space<hbm>>) target_semaphore(%run_scoped3A : memref<!tpu.dma_semaphore, #tpu.memory_space<semaphore_mem>>)
      %dma_wait3A_227 = tpu.memref_slice %arg10[%mul3A_2] : memref<16384xf32, #tpu.memory_space<hbm>> -> memref<512xf32, #tpu.memory_space<hbm>>
      %dma_wait3A_228 = tpu.memref_slice %arg10[%mul3A_2] : memref<16384xf32, #tpu.memory_space<hbm>> -> memref<512xf32, #tpu.memory_space<hbm>>
      tpu.wait_dma2 semaphore(%run_scoped3A : memref<!tpu.dma_semaphore, #tpu.memory_space<semaphore_mem>>) src(%arg16 : memref<512xf32, #tpu.memory_space<vmem>>) dst(%dma_wait3A_228 : memref<512xf32, #tpu.memory_space<hbm>>)
      tpu.yield
    }) : () -> ()
    "tpu.region"() ({
      %run_scoped3A = tpu.sem_alloc : memref<!tpu.dma_semaphore, #tpu.memory_space<semaphore_mem>>
      %dma_start3A_225 = tpu.memref_slice %arg11[%mul3A_2] : memref<16384xf32, #tpu.memory_space<hbm>> -> memref<512xf32, #tpu.memory_space<hbm>>
      %dma_start3A_226 = tpu.memref_slice %arg11[%mul3A_2] : memref<16384xf32, #tpu.memory_space<hbm>> -> memref<512xf32, #tpu.memory_space<hbm>>
      tpu.enqueue_dma source(%arg17 : memref<512xf32, #tpu.memory_space<vmem>>) target(%dma_start3A_226 : memref<512xf32, #tpu.memory_space<hbm>>) target_semaphore(%run_scoped3A : memref<!tpu.dma_semaphore, #tpu.memory_space<semaphore_mem>>)
      %dma_wait3A_227 = tpu.memref_slice %arg11[%mul3A_2] : memref<16384xf32, #tpu.memory_space<hbm>> -> memref<512xf32, #tpu.memory_space<hbm>>
      %dma_wait3A_228 = tpu.memref_slice %arg11[%mul3A_2] : memref<16384xf32, #tpu.memory_space<hbm>> -> memref<512xf32, #tpu.memory_space<hbm>>
      tpu.wait_dma2 semaphore(%run_scoped3A : memref<!tpu.dma_semaphore, #tpu.memory_space<semaphore_mem>>) src(%arg17 : memref<512xf32, #tpu.memory_space<vmem>>) dst(%dma_wait3A_228 : memref<512xf32, #tpu.memory_space<hbm>>)
      tpu.yield
    }) : () -> ()
    return
  }
}

module attributes {stable_mosaic.version = 14 : i64} {
  func.func @_tc_mlp_body(%arg0: i32, %arg1: memref<2048x32xf32, #tpu.memory_space<vmem>>, %arg2: memref<2048x32xf32, #tpu.memory_space<vmem>>, %arg3: memref<2048xf32, #tpu.memory_space<vmem>>, %arg4: memref<2048xf32, #tpu.memory_space<vmem>>, %arg5: memref<96x64xf32, #tpu.memory_space<vmem>>, %arg6: memref<1x64xf32, #tpu.memory_space<vmem>>, %arg7: memref<64x1xf32, #tpu.memory_space<vmem>>, %arg8: memref<1x1xf32, #tpu.memory_space<vmem>>, %arg9: memref<2048xf32, #tpu.memory_space<vmem>>, %arg10: memref<2048xf32, #tpu.memory_space<vmem>>) attributes {dimension_semantics = [#tpu.dimension_semantics<arbitrary>], iteration_bounds = array<i64: 8>, scalar_prefetch = 0 : i64, scratch_operands = 0 : i64, tpu.core_type = #tpu.core_type<tc>, window_params = [{transform_indices = @transform_0, window_bounds = array<i64: 2048, 32>}, {transform_indices = @transform_1, window_bounds = array<i64: 2048, 32>}, {transform_indices = @transform_2, window_bounds = array<i64: 2048>}, {transform_indices = @transform_3, window_bounds = array<i64: 2048>}, {pipeline_mode = #tpu.pipeline_mode<synchronous>, transform_indices = @transform_4, window_bounds = array<i64: 96, 64>}, {pipeline_mode = #tpu.pipeline_mode<synchronous>, transform_indices = @transform_5, window_bounds = array<i64: 1, 64>}, {pipeline_mode = #tpu.pipeline_mode<synchronous>, transform_indices = @transform_6, window_bounds = array<i64: 64, 1>}, {pipeline_mode = #tpu.pipeline_mode<synchronous>, transform_indices = @transform_7, window_bounds = array<i64: 1, 1>}, {transform_indices = @transform_8, window_bounds = array<i64: 2048>}, {transform_indices = @transform_9, window_bounds = array<i64: 2048>}]} {
    %get3A = arith.constant 0 : index
    %get3A_0 = arith.constant 0 : index
    %get3A_1 = vector.load %arg1[%get3A, %get3A_0] : memref<2048x32xf32, #tpu.memory_space<vmem>>, vector<2048x32xf32>
    %get3A_2 = arith.constant 0 : index
    %get3A_3 = arith.constant 0 : index
    %get3A_4 = vector.load %arg2[%get3A_2, %get3A_3] : memref<2048x32xf32, #tpu.memory_space<vmem>>, vector<2048x32xf32>
    %mul3A = arith.mulf %get3A_1, %get3A_4 : vector<2048x32xf32>
    %reduce_sum3A = arith.constant dense<0.000000e+00> : vector<2048xf32>
    %reduce_sum3A_5 = vector.multi_reduction <add>, %mul3A, %reduce_sum3A [1] : vector<2048x32xf32> to vector<2048xf32>
    %get3A_6 = arith.constant 0 : index
    %get3A_7 = vector.load %arg3[%get3A_6] : memref<2048xf32, #tpu.memory_space<vmem>>, vector<2048xf32>
    %add3A = arith.addf %reduce_sum3A_5, %get3A_7 : vector<2048xf32>
    %get3A_8 = arith.constant 0 : index
    %get3A_9 = vector.load %arg4[%get3A_8] : memref<2048xf32, #tpu.memory_space<vmem>>, vector<2048xf32>
    %add3A_10 = arith.addf %add3A, %get3A_9 : vector<2048xf32>
    %swap3A = arith.constant 0 : index
    %swap3A_11 = vector.load %arg9[%swap3A] : memref<2048xf32, #tpu.memory_space<vmem>>, vector<2048xf32>
    tpu.vector_store %arg9[%swap3A], %add3A_10 {strides = array<i32>} : memref<2048xf32, #tpu.memory_space<vmem>>, vector<2048xf32>,
    %get3A_12 = arith.constant 0 : index
    %get3A_13 = arith.constant 0 : index
    %get3A_14 = vector.load %arg5[%get3A_12, %get3A_13] : memref<96x64xf32, #tpu.memory_space<vmem>>, vector<96x64xf32>
    %slice3A = vector.extract_strided_slice %get3A_14 {offsets = [0, 0], sizes = [32, 64], strides = [1, 1]} : vector<96x64xf32> to vector<32x64xf32>
    %dot_general3A = arith.constant dense<0.000000e+00> : vector<2048x64xf32>
    %dot_general3A_15 = tpu.matmul %get3A_1, %slice3A, %dot_general3A {dimension_numbers = #tpu.dot_dimension_numbers<[1], [0], [0], [1], [0, 0, 1, 1], [], []>, transpose_lhs_hint = false} : vector<2048x32xf32>, vector<32x64xf32>, vector<2048x64xf32> -> vector<2048x64xf32>
    %slice3A_16 = vector.extract_strided_slice %get3A_14 {offsets = [32, 0], sizes = [32, 64], strides = [1, 1]} : vector<96x64xf32> to vector<32x64xf32>
    %dot_general3A_17 = arith.constant dense<0.000000e+00> : vector<2048x64xf32>
    %dot_general3A_18 = tpu.matmul %get3A_4, %slice3A_16, %dot_general3A_17 {dimension_numbers = #tpu.dot_dimension_numbers<[1], [0], [0], [1], [0, 0, 1, 1], [], []>, transpose_lhs_hint = false} : vector<2048x32xf32>, vector<32x64xf32>, vector<2048x64xf32> -> vector<2048x64xf32>
    %add3A_19 = arith.addf %dot_general3A_15, %dot_general3A_18 : vector<2048x64xf32>
    %slice3A_20 = vector.extract_strided_slice %get3A_14 {offsets = [64, 0], sizes = [32, 64], strides = [1, 1]} : vector<96x64xf32> to vector<32x64xf32>
    %dot_general3A_21 = arith.constant dense<0.000000e+00> : vector<2048x64xf32>
    %dot_general3A_22 = tpu.matmul %mul3A, %slice3A_20, %dot_general3A_21 {dimension_numbers = #tpu.dot_dimension_numbers<[1], [0], [0], [1], [0, 0, 1, 1], [], []>, transpose_lhs_hint = false} : vector<2048x32xf32>, vector<32x64xf32>, vector<2048x64xf32> -> vector<2048x64xf32>
    %add3A_23 = arith.addf %add3A_19, %dot_general3A_22 : vector<2048x64xf32>
    %get3A_24 = arith.constant 0 : index
    %get3A_25 = arith.constant 0 : index
    %get3A_26 = vector.load %arg6[%get3A_24, %get3A_25] : memref<1x64xf32, #tpu.memory_space<vmem>>, vector<1x64xf32>
    %add3A_27 = vector.broadcast %get3A_26 : vector<1x64xf32> to vector<2048x64xf32>
    %add3A_28 = arith.addf %add3A_23, %add3A_27 : vector<2048x64xf32>
    %max3A = arith.constant 0.000000e+00 : f32
    %max3A_29 = vector.broadcast %max3A : f32 to vector<2048x64xf32>
    %max3A_30 = arith.maximumf %add3A_28, %max3A_29 : vector<2048x64xf32>
    %get3A_31 = arith.constant 0 : index
    %get3A_32 = arith.constant 0 : index
    %get3A_33 = vector.load %arg7[%get3A_31, %get3A_32] : memref<64x1xf32, #tpu.memory_space<vmem>>, vector<64x1xf32>
    %dot_general3A_34 = arith.constant dense<0.000000e+00> : vector<2048x1xf32>
    %dot_general3A_35 = tpu.matmul %max3A_30, %get3A_33, %dot_general3A_34 {dimension_numbers = #tpu.dot_dimension_numbers<[1], [0], [0], [1], [0, 0, 1, 1], [], []>, transpose_lhs_hint = false} : vector<2048x64xf32>, vector<64x1xf32>, vector<2048x1xf32> -> vector<2048x1xf32>
    %get3A_36 = arith.constant 0 : index
    %get3A_37 = arith.constant 0 : index
    %get3A_38 = vector.load %arg8[%get3A_36, %get3A_37] : memref<1x1xf32, #tpu.memory_space<vmem>>, vector<1x1xf32>
    %add3A_39 = vector.broadcast %get3A_38 : vector<1x1xf32> to vector<2048x1xf32>
    %add3A_40 = arith.addf %dot_general3A_35, %add3A_39 : vector<2048x1xf32>
    %squeeze3A = vector.shape_cast %add3A_40 : vector<2048x1xf32> to vector<2048xf32>
    %swap3A_41 = arith.constant 0 : index
    %swap3A_42 = vector.load %arg10[%swap3A_41] : memref<2048xf32, #tpu.memory_space<vmem>>, vector<2048xf32>
    tpu.vector_store %arg10[%swap3A_41], %squeeze3A {strides = array<i32>} : memref<2048xf32, #tpu.memory_space<vmem>>, vector<2048xf32>,
    return
  }
  func.func @transform_0(%arg0: i32) -> (i32, i32) {
    %c0_i32 = arith.constant 0 : i32
    %c0_i32_0 = arith.constant 0 : i32
    return %arg0, %c0_i32 : i32, i32
  }
  func.func @transform_1(%arg0: i32) -> (i32, i32) {
    %c0_i32 = arith.constant 0 : i32
    %c0_i32_0 = arith.constant 0 : i32
    return %arg0, %c0_i32 : i32, i32
  }
  func.func @transform_2(%arg0: i32) -> i32 {
    %c0_i32 = arith.constant 0 : i32
    return %arg0 : i32
  }
  func.func @transform_3(%arg0: i32) -> i32 {
    %c0_i32 = arith.constant 0 : i32
    return %arg0 : i32
  }
  func.func @transform_4(%arg0: i32) -> (i32, i32) {
    %c0_i32 = arith.constant 0 : i32
    %c0_i32_0 = arith.constant 0 : i32
    %c0_i32_1 = arith.constant 0 : i32
    return %c0_i32, %c0_i32_0 : i32, i32
  }
  func.func @transform_5(%arg0: i32) -> (i32, i32) {
    %c0_i32 = arith.constant 0 : i32
    %c0_i32_0 = arith.constant 0 : i32
    %c0_i32_1 = arith.constant 0 : i32
    return %c0_i32, %c0_i32_0 : i32, i32
  }
  func.func @transform_6(%arg0: i32) -> (i32, i32) {
    %c0_i32 = arith.constant 0 : i32
    %c0_i32_0 = arith.constant 0 : i32
    %c0_i32_1 = arith.constant 0 : i32
    return %c0_i32, %c0_i32_0 : i32, i32
  }
  func.func @transform_7(%arg0: i32) -> (i32, i32) {
    %c0_i32 = arith.constant 0 : i32
    %c0_i32_0 = arith.constant 0 : i32
    %c0_i32_1 = arith.constant 0 : i32
    return %c0_i32, %c0_i32_0 : i32, i32
  }
  func.func @transform_8(%arg0: i32) -> i32 {
    %c0_i32 = arith.constant 0 : i32
    return %arg0 : i32
  }
  func.func @transform_9(%arg0: i32) -> i32 {
    %c0_i32 = arith.constant 0 : i32
    return %arg0 : i32
  }
}

</mosaic_0001>

<sc_bundles>
// kernel: kernel.4.cloned.1.call-start
scs
__scs_entry_jumppad:
0x0: {  	(pc) =	sbr.rel $0x88, $3  }
0x1: {  	(tag) =	ssettag $0x0;
	lr =	simm.s32 $0x1  }
0x2: {  	[smem:$0x3F97] =	sst lr;
	_ =	strace $0xD0000000  }
0x3: {  	_ = 	snop  }
0x4: {  	_ = 	snop  }
0x5: {  	_ = 	snop  }
0x6: {  	_ = 	snop  }
0x7: {  	_ = 	snop  }
__scs_overlays_trampoline_lowered:
0x8: {  	[smem:$0x3FA6] =	sst s0  }
0x9: {  	[smem:$0x3FA7] =	sst s1  }
0xa: {  	[smem:$0x3FA8] =	sst s2  }
0xb: {  	[smem:$0x3FA9] =	sst s3  }
0xc: {  	[smem:$0x3FAA] =	sst s4  }
0xd: {  	[smem:$0x3FAB] =	sst s5  }
0xe: {  	[smem:$0x3FAC] =	sst s6  }
0xf: {  	[smem:$0x3FAD] =	sst s7  }
0x10: {  	[smem:$0x3FAE] =	sst s8  }
0x11: {  	[smem:$0x3FAF] =	sst s9;
	s0 =	simm.s32 @!p0 $0x0  }
0x12: {  	s1 =	sld [smem:$0x3F95];
	s0 =	simm.s32 @p0 $0x1  }
0x13: {  	[smem:$0x3FB0] =	sst s0;
	s0 =	simm.s32 @!p1 $0x0  }
0x14: {  	s2 =	sld [smem:$0x3F94];
	s0 =	simm.s32 @p1 $0x1  }
0x15: {  	[smem:$0x3FB1] =	sst s0;
	s0 =	simm.s32 @!p2 $0x0  }
0x16: {  	s3 =	sld [smem:$0x3FDB];
	s0 =	simm.s32 @p2 $0x1  }
0x17: {  	s4 =	simm.s32 $0x1BF5;
	[smem:$0x3FB3] =	sst s0  }
0x18: {  	s0 =	sld [smem:$0x3F96];
	_ =	swait.ge [sflag:s4], $0x0  }
0x19: {  	s7 =	sld [smem:$0x3F97]  }
0x1a: {  	s8 =	sadd.s32 $0xFFFFE003, lr  }
0x1b: {  	s9 =	sadd.s32 $0xFFFFFEF7, lr;
	s5 =	simm.s32 $0xFFFFFFFF;
	p2 =	slt.u32 s8, $0xFFFFF086  }
0x1c: {  	p1 =	slt.u32 s9, $0xF7A;
	s5 =	simm.s32 @!p2 $0x0  }
0x1d: {  	s5 =	simm.s32 @p1 $0x1;
	p0 =	seq.s32 s7, s2  }
0x1e: {  	s7 =	smul.u32 @!p0 $0xF7A, s2;
	p2 =	seq.s32 @!p0 s5, $0x0  }
0x1f: {  	s9 =	smul.u32 $0xF7A, s1;
	s8 =	simm.s32 @!p0 $0x1BF5;
	p2 =	por !p2, p0  }
0x20: {  	[sflag:s8] =	ssyncset.s32 @!p0 $0xFFFFF086;
	s6 =	sadd.s32 @!p0 s3, s7;
	s7 =	simm.s32 @!p0 $0x108  }
0x21: {  	s3 =	sadd.s32 s3, s9;
	s6 =	sadd.s32 @!p0 $0x88, s6;
	s7 =	simm.s32 @p2 $0x1082  }
0x22: {  	[simem:s7], [sflag:s8] =	dma.local @!p0 [hbm:s6], $0xF7A  }
0x23: {  	s9 =	sor.u32 $0xD0000000, s2;
	s6 =	simm.s32 $0x108;
	_ =	swait.ge @!p0 [sflag:s8], $0x0  }
0x24: {  	s3 =	sadd.s32 $0x88, s3;
	s6 =	simm.s32 @!p1 $0x1082;
	[sflag:s4] =	ssyncset.s32 $0xFFFFF086  }
0x25: {  	[simem:s6], [sflag:s4] =	dma.local [hbm:s3], $0xF7A  }
0x26: {  	[smem:$0x3F97] =	sst s1;
	(tag) =	ssettag s2;
	_ =	strace s9  }
0x27: {  	s1 =	sld [smem:$0x3FA7]  }
0x28: {  	s2 =	sld [smem:$0x3FA8]  }
0x29: {  	s4 =	sld [smem:$0x3FAA]  }
0x2a: {  	p0 =	seq.s32 s5, $0x0;
	s5 =	sld [smem:$0x3FAB]  }
0x2b: {  	s6 =	sld [smem:$0x3FAC]  }
0x2c: {  	s7 =	sld [smem:$0x3FAD]  }
0x2d: {  	s3 =	simm.s32 $0x108;
	s8 =	sld [smem:$0x3FAE]  }
0x2e: {  	s3 =	simm.s32 @!p0 $0x1082;
	s9 =	sld [smem:$0x3FAF]  }
0x2f: {  	lr =	sadd.s32 s0, s3;
	s0 =	sld [smem:$0x3FA6]  }
0x30: {  	s3 =	sld [smem:$0x3FA9]  }
0x31: {  	[smem:$0x3FB2] =	sst s10  }
0x32: {  	s10 =	sld [smem:$0x3FB0];
	_ =	sdelay $0x3  }
0x33: {  	p0 =	seq.s32 s10, $0x1;
	s10 =	sld [smem:$0x3FB2];
	_ =	sdelay $0x3  }
0x34: {  	[smem:$0x3FB2] =	sst s10  }
0x35: {  	s10 =	sld [smem:$0x3FB1];
	_ =	sdelay $0x3  }
0x36: {  	p1 =	seq.s32 s10, $0x1;
	s10 =	sld [smem:$0x3FB2];
	_ =	sdelay $0x3  }
0x37: {  	[smem:$0x3FB2] =	sst s10  }
0x38: {  	s10 =	sld [smem:$0x3FB3]  }
0x39: {  	_ = 	snop;
	(pc) =	sbr.ind lr, $3  }
0x3a: {  	_ = 	snop  }
0x3b: {  	_ = 	snop  }
0x3c: {  	p2 =	seq.s32 s10, $0x1;
	s10 =	sld [smem:$0x3FB2]  }
0x3d: {  	_ =	shalt  }
0x3e: {  	_ =	shalt  }
0x3f: {  	_ =	shalt  }
0x40: {  	_ =	shalt  }
0x41: {  	_ =	shalt  }
0x42: {  	_ =	shalt  }
0x43: {  	_ =	shalt  }
0x44: {  	_ =	shalt  }
0x45: {  	_ =	shalt  }
0x46: {  	_ =	shalt  }
0x47: {  	_ =	shalt  }
0x48: {  	_ =	shalt  }
0x49: {  	_ =	shalt  }
0x4a: {  	_ =	shalt  }
0x4b: {  	_ =	shalt  }
0x4c: {  	_ =	shalt  }
0x4d: {  	_ =	shalt  }
0x4e: {  	_ =	shalt  }
0x4f: {  	_ =	shalt  }
0x50: {  	_ =	shalt  }
0x51: {  	_ =	shalt  }
0x52: {  	_ =	shalt  }
0x53: {  	_ =	shalt  }
0x54: {  	_ =	shalt  }
0x55: {  	_ =	shalt  }
0x56: {  	_ =	shalt  }
0x57: {  	_ =	shalt  }
0x58: {  	_ =	shalt  }
0x59: {  	_ =	shalt  }
0x5a: {  	_ =	shalt  }
0x5b: {  	_ =	shalt  }
0x5c: {  	_ =	shalt  }
0x5d: {  	_ =	shalt  }
0x5e: {  	_ =	shalt  }
0x5f: {  	_ =	shalt  }
0x60: {  	_ =	shalt  }
0x61: {  	_ =	shalt  }
0x62: {  	_ =	shalt  }
0x63: {  	_ =	shalt  }
0x64: {  	_ =	shalt  }
0x65: {  	_ =	shalt  }
0x66: {  	_ =	shalt  }
0x67: {  	_ =	shalt  }
0x68: {  	_ =	shalt  }
0x69: {  	_ =	shalt  }
0x6a: {  	_ =	shalt  }
0x6b: {  	_ =	shalt  }
0x6c: {  	_ =	shalt  }
0x6d: {  	_ =	shalt  }
0x6e: {  	_ =	shalt  }
0x6f: {  	_ =	shalt  }
0x70: {  	_ =	shalt  }
0x71: {  	_ =	shalt  }
0x72: {  	_ =	shalt  }
0x73: {  	_ =	shalt  }
0x74: {  	_ =	shalt  }
0x75: {  	_ =	shalt  }
0x76: {  	_ =	shalt  }
0x77: {  	_ =	shalt  }
0x78: {  	_ =	shalt  }
0x79: {  	_ =	shalt  }
0x7a: {  	_ =	shalt  }
0x7b: {  	_ =	shalt  }
0x7c: {  	_ =	shalt  }
0x7d: {  	_ =	shalt  }
0x7e: {  	_ =	shalt  }
0x7f: {  	_ =	shalt  }
0x80: {  	_ =	shalt  }
0x81: {  	_ =	shalt  }
0x82: {  	_ =	shalt  }
0x83: {  	_ =	shalt  }
0x84: {  	_ =	shalt  }
0x85: {  	_ =	shalt  }
0x86: {  	_ =	shalt  }
0x87: {  	_ =	shalt  }
.Lfunc_end0:
.L_simem_size_0:
called_computation_lowered:
.L_overlay_start_0:
0x88: {  	s2 =	sld [smem:$0x3FD9]  }
0x89: {  	s3 =	sld [smem:$0x3FFE];
	_ =	sdelay $0x1  }
0x8a: {  	s1 =	srdreg.scid  }
0x8b: {  	s0 =	sand.u32 $0x1, s1  }
0x8c: {  	s14 =	sshll.u32 s0, $0xA;
	s2 =	sadd.s32 s3, s2  }
0x8d: {  	s2 =	sadd.s32 s2, s14  }
0x8e: {  	[smem:$0x3FBE] =	sst s2  }
0x8f: {  	_ = 	snop  }
0x90: {  	s2 =	sld [smem:$0x3FD0];
	_ =	sdelay $0x1  }
0x91: {  	s15 =	sld [smem:$0x3FC9]  }
0x92: {  	s5 =	simm.s32 $0xA;
	s6 =	simm.s32 $0x10;
	s4 =	sld [smem:$0x3FC8]  }
0x93: {  	[smem:s6], [sflag:s5] =	dma.local [hbm:s2], $0x1  }
0x94: {  	_ =	swait.eq [sflag:s5], $0x1  }
0x95: {  	[sflag:s5] =	ssyncset.done $0x0  }
0x96: {  	s16 =	sld [smem:$0x10];
	[sflag:s5] =	ssyncadd.s32 $0xFFFFFFFF  }
0x97: {  	s17 =	sld [smem:$0x11];
	(tm) =	ssettm $0x1  }
0x98: {  	s18 =	sld [smem:$0x3FFB];
	_ =	sdelay $0x3  }
0x99: {  	_ =	strace s18  }
0x9a: {  	s6 =	sld [smem:$0x3FFC];
	_ =	sdelay $0x3  }
0x9b: {  	_ =	strace s6  }
0x9c: {  	s6 =	sld [smem:$0x3FFD];
	_ =	sdelay $0x3  }
0x9d: {  	_ =	strace s6  }
0x9e: {  	_ =	strace $0x8FFFFFFF  }
0x9f: {  	s19 =	sld [smem:$0x3FDB];
	_ =	sdelay $0x1  }
0xa0: {  	s7 =	simm.s32 $_scs_section_size  }
0xa1: {  	s8 =	simm.s32 $_size__tile_overlayer_lowered;
	s9 =	simm.s32 $_tile_overlayer_lowered  }
0xa2: {  	s22 =	simm.s32 $0x1BFF;
	s21 =	sshll.u32 s9, $0x1;
	s6 =	sadd.s32 s7, s19  }
0xa3: {  	s10 =	simm.s32 $0x0;
	s20 =	sshll.u32 s8, $0x1;
	s8 =	sadd.s32 s21, s6  }
0xa4: {  	[timem:s10], [sflag:s22] =	dma.local [hbm:s8], s20  }
0xa5: {  	_ =	swait.ge [sflag:s22], s20  }
0xa6: {  	s7 =	ssub.s32 $0x0, s20;
	[sflag:s22] =	ssyncset.done $0x0  }
0xa7: {  	[sflag:s22] =	ssyncadd.s32 s7;
	_ =	sdelay $0x1  }
0xa8: {  	s23 =	simm.s32 $0x1B8B  }
0xa9: {  	_ =	swait.ge [sflag:s23], $0x1  }
0xaa: {  	[sflag:s23] =	ssyncset.done $0x0  }
0xab: {  	s25 =	simm.s32 $0x1B8E;
	s24 =	sld [smem:$0x3FFE];
	[sflag:s23] =	ssyncadd.s32 $0xFFFFFFFF  }
0xac: {  	s26 =	simm.s32 $execute0_lowered;
	[smem:$0x3FD2] =	sst s25  }
0xad: {  	s8 =	sshll.u32 s26, $0x1;
	_ =	strace $0x80000046;
	[dreg:$0x1] =	wrdreg $0xFFFFFFFF  }
0xae: {  	s28 =	simm.s32 $_size_execute0_lowered;
	s6 =	sadd.s32 s6, s8;
	[dreg:$0x0] =	wrdreg $0x0  }
0xaf: {  	s8 =	sshll.u32 s28, $0x1;
	[dreg:$0x2] =	wrdreg s6  }
0xb0: {  	[dreg:$0x3] =	wrdreg s8  }
0xb1: {  	[dreg:$0x4] =	wrdreg $0xC0  }
0xb2: {  	_ =	task [dreg:s10], $0x5FFFF  }
0xb3: {  	[dreg:$0x1] =	wrdreg $0xFFFFFFFF  }
0xb4: {  	[dreg:$0x0] =	wrdreg $0x60  }
0xb5: {  	[dreg:$0x2] =	wrdreg s15  }
0xb6: {  	[dreg:$0x3] =	wrdreg s4  }
0xb7: {  	[dreg:$0x4] =	wrdreg s24  }
0xb8: {  	[dreg:$0x5] =	wrdreg s17  }
0xb9: {  	[dreg:$0x6] =	wrdreg s16  }
0xba: {  	[dreg:$0x7] =	wrdreg $0x9  }
0xbb: {  	_ =	task.clear_ibuf [dreg:s10], $0x8FFFF;
	_ =	strace $0x90000046  }
0xbc: {  	s29 =	simm.s32 $0x9;
	_ =	strace $0x80000048  }
0xbd: {  	_ =	swait.ge [sflag:s29], $0x1  }
0xbe: {  	[sflag:s29] =	ssyncadd.s32 $0xFFFFFFFF  }
0xbf: {  	_ =	strace $0x90000048  }
0xc0: {  	_ =	sfence  }
0xc1: {  	s30 =	sld [smem:$0x0];
	_ =	sdelay $0x2  }
0xc2: {  	s31 =	sshll.u32 s1, $0xD;
	s1 =	sshrl.u32 s1, $0x2  }
0xc3: {  	s3 =	sand.u32 $0x4000, s31;
	s1 =	sadd.s32 s1, s30  }
0xc4: {  	s0 =	sor.u32 s3, s0;
	s1 =	sshll.u32 s1, $0x11  }
0xc5: {  	s0 =	sor.u32 s1, s0  }
0xc6: {  	s0 =	sadd.s32 $0x8F2B, s0  }
0xc7: {  	[sflag:s0] =	ssyncadd.remote.s32 $0x1  }
0xc8: {  	_ =	sfence.sel $0xFFFF  }
0xc9: {  	[dreg:$0x0] =	wrdreg $0xFFFFFFFF;
	(pc) =	sbr.abs _section_cstart, $3  }
0xca: {  	[dreg:$0x1] =	wrdreg $0xFFFFFFFF  }
0xcb: {  	_ =	task.clear_ibuf [dreg:s10], $0x2FFFF;
	_ =	strace $0x9FFFFFFF  }
0xcc: {  	(tm) =	ssettm $0x7FFFFFFF  }
0xcd: {  	_ =	shalt  }
tec
execute0_lowered:
.L_overlay_start_1:
0x0: {  	(tag) =	ssettag $0x1  }
0x1: {  	s0 =	rddreg [dreg:$0x0]  }
0x2: {  	s1 =	rddreg [dreg:$0x1]  }
0x3: {  	s3 =	rddreg [dreg:$0x2]  }
0x4: {  	s4 =	rddreg [dreg:$0x3]  }
0x5: {  	s5 =	rddreg [dreg:$0x4]  }
0x6: {  	s2 =	srdreg.scid;
	s7 =	stileid.u32;
	s14 =	simm.s32 $0x200  }
0x7: {  	s13 =	simm.s32 $0x80;
	s15 =	simm.s32 $0x280;
	s18 =	simm.s32 $0x5400  }
0x8: {  	s19 =	simm.s32 $0x8480;
	s20 =	simm.s32 $0x8680;
	s16 =	simm.s32 $0x100  }
0x9: {  	s22 =	simm.s32 $0x2400;
	s17 =	simm.s32 $0x300;
	s21 =	simm.s32 $0x180  }
0xa: {  	p0 =	por $0x0, $0x0;
	s28 =	simm.s32 $0x3400;
	s29 =	simm.s32 $0x7400  }
0xb: {  	s30 =	simm.s32 $0x8580;
	s31 =	simm.s32 $0x8780;
	s6 =	sand.u32 $0x1, s2  }
0xc: {  	s2 =	simm.s32 $0x0;
	s7 =	sshll.u32 s7, $0xA;
	s9 =	sadd.s32 $0x1313C00, s3  }
0xd: {  	s10 =	sadd.s32 $0xF43200, s3;
	s11 =	sadd.s32 $0x1F800, s3;
	s8 =	sshll.u32 s6, $0x9  }
0xe: {  	s12 =	sadd.s32 $0xE00, s3;
	[smem:$0x7FF] =	sst s2;
	s7 =	sor.u32 s8, s7  }
0xf: {  	s25 =	ssub.s32 $0x2, s6;
	_ =	strace $0x80000047;
	s8 =	sshrl.u32 s7, $0x3  }
0x10: {  	s6 =	sshrl.u32 s25, $0x1;
	s7 =	sshll.u32 s7, $0x2;
	s0 =	sadd.s32 s0, s8  }
0x11: {  	s7 =	sadd.s32 s7, s3;
	s23 =	sadd.s32 s1, s8;
	s4 =	sadd.s32 s4, s8  }
0x12: {  	s1 =	ssub.s32 s25, s6;
	s3 =	simm.s32 $0x2;
	[dreg:$0x6] =	wrdreg s0  }
0x13: {  	s6 =	simm.s32 $0x4400;
	[dreg:$0x7] =	wrdreg s23;
	s24 =	sadd.s32 $0x4E200, s7  }
0x14: {  	s26 =	sadd.s32 $0x3E200, s7;
	s7 =	sadd.s32 s5, s8;
	s8 =	smax.u32 s1, $0x1  }
0x15: {  	s25 =	simm.s32 $0x8700;
	[dreg:$0xa] =	wrdreg s4;
	p1 =	sne.s32 s8, $0x1  }
.Ltmp0:
0x16: {  	s5 =	simm.s32 $0x8400;
	[dreg:$0x8] =	wrdreg s24;
	(pc) =	sbr.rel @!p1 .LBB2_3-.Ltmp0, $4  }
0x17: {  	s4 =	simm.s32 $0x8600;
	s23 =	simm.s32 $0x6400;
	[dreg:$0x9] =	wrdreg s26  }
0x18: {  	[dreg:$0xb] =	wrdreg s7;
	s7 =	simm.s32 $0x400;
	s26 =	simm.s32 $0x1400  }
0x19: {  	s24 =	simm.s32 $0x8500;
	s0 =	sadd.s32 $0xFFFFFFFF, s8;
	s1 =	rddreg [dreg:$0x6]  }
0x1a: {  	s8 =	simm.s32 $0x1;
	[dreg:$0xc] =	wrdreg s26;
	s26 =	simm.s32 $0x380  }
0x1b: {  	[tilespmem:s2], [sflag:$0x2] =	stream.linear.gather [hbm4b:s1+s2], $0x200, $0x38;
	[tilespmem:$0x8800] =	vst v63  }
0x1c: {  	_ =	swait.ge [sflag:s3], $0x200  }
0x1d: {  	[sflag:s3] =	ssyncset.done $0x0  }
0x1e: {  	s1 =	rddreg [dreg:$0x7];
	[sflag:s3] =	ssyncadd.s32 $0xFFFFFE00  }
0x1f: {  	[tilespmem:s14], [sflag:$0x2] =	stream.linear.gather [hbm4b:s1+s2], $0x200, $0x38;
	[tilespmem:$0x8800] =	vst v63  }
0x20: {  	_ =	swait.ge [sflag:s3], $0x200  }
0x21: {  	[sflag:s3] =	ssyncset.done $0x0  }
0x22: {  	[sflag:s3] =	ssyncadd.s32 $0xFFFFFE00  }
0x23: {  	[tilespmem:s7], [sflag:$0x1] =	stream.indirect.gather [hbm4b:s9+s13], $0x20, s2, s13, $0xb8;
	[tilespmem:$0x8800] =	vst v63  }
0x24: {  	_ = 	snop  }
0x25: {  	[tilespmem:s6], [sflag:$0x1] =	stream.indirect.gather [hbm4b:s10+s13], $0x20, s14, s13, $0xb8;
	[tilespmem:$0x8800] =	vst v63  }
0x26: {  	_ = 	snop  }
0x27: {  	[tilespmem:s5], [sflag:$0x1] =	stream.indirect.gather [hbm4b:s11+s13], $0x1, s2, s13, $0xb8;
	[tilespmem:$0x8800] =	vst v63  }
0x28: {  	_ = 	snop  }
0x29: {  	[tilespmem:s4], [sflag:$0x1] =	stream.indirect.gather [hbm4b:s12+s13], $0x1, s14, s13, $0xb8;
	[tilespmem:$0x8800] =	vst v63  }
0x2a: {  	s1 =	rddreg [dreg:$0xc]  }
0x2b: {  	[tilespmem:s1], [sflag:$0x1] =	stream.indirect.gather [hbm4b:s9+s13], $0x20, s13, s13, $0xb8;
	[tilespmem:$0x8800] =	vst v63  }
0x2c: {  	_ = 	snop  }
0x2d: {  	[tilespmem:s18], [sflag:$0x1] =	stream.indirect.gather [hbm4b:s10+s13], $0x20, s15, s13, $0xb8;
	[tilespmem:$0x8800] =	vst v63  }
0x2e: {  	_ = 	snop  }
0x2f: {  	[tilespmem:s19], [sflag:$0x1] =	stream.indirect.gather [hbm4b:s11+s13], $0x1, s13, s13, $0xb8;
	[tilespmem:$0x8800] =	vst v63  }
0x30: {  	_ = 	snop  }
0x31: {  	[tilespmem:s20], [sflag:$0x1] =	stream.indirect.gather [hbm4b:s12+s13], $0x1, s15, s13, $0xb8;
	[tilespmem:$0x8800] =	vst v63  }
0x32: {  	_ = 	snop  }
0x33: {  	[tilespmem:s22], [sflag:$0x1] =	stream.indirect.gather [hbm4b:s9+s13], $0x20, s16, s13, $0xb8;
	[tilespmem:$0x8800] =	vst v63  }
0x34: {  	_ = 	snop  }
0x35: {  	[tilespmem:s23], [sflag:$0x1] =	stream.indirect.gather [hbm4b:s10+s13], $0x20, s17, s13, $0xb8;
	[tilespmem:$0x8800] =	vst v63  }
0x36: {  	_ = 	snop  }
0x37: {  	[tilespmem:s24], [sflag:$0x1] =	stream.indirect.gather [hbm4b:s11+s13], $0x1, s16, s13, $0xb8;
	[tilespmem:$0x8800] =	vst v63  }
0x38: {  	_ = 	snop  }
0x39: {  	[tilespmem:s25], [sflag:$0x1] =	stream.indirect.gather [hbm4b:s12+s13], $0x1, s17, s13, $0xb8;
	[tilespmem:$0x8800] =	vst v63  }
0x3a: {  	_ = 	snop  }
0x3b: {  	[tilespmem:s28], [sflag:$0x1] =	stream.indirect.gather [hbm4b:s9+s13], $0x20, s21, s13, $0xb8;
	[tilespmem:$0x8800] =	vst v63  }
0x3c: {  	_ = 	snop  }
0x3d: {  	[tilespmem:s29], [sflag:$0x1] =	stream.indirect.gather [hbm4b:s10+s13], $0x20, s26, s13, $0xb8;
	[tilespmem:$0x8800] =	vst v63  }
0x3e: {  	_ = 	snop  }
0x3f: {  	[tilespmem:s30], [sflag:$0x1] =	stream.indirect.gather [hbm4b:s11+s13], $0x1, s21, s13, $0xb8;
	[tilespmem:$0x8800] =	vst v63  }
0x40: {  	_ = 	snop  }
0x41: {  	[tilespmem:s31], [sflag:$0x1] =	stream.indirect.gather [hbm4b:s12+s13], $0x1, s26, s13, $0xb8;
	[tilespmem:$0x8800] =	vst v63  }
0x42: {  	_ =	swait.ge [sflag:s8], $0x1000  }
0x43: {  	[sflag:s8] =	ssyncset.done $0x0  }
0x44: {  	[sflag:s8] =	ssyncadd.s32 $0xFFFFF000  }
0x45: {  	_ =	swait.ge [sflag:s8], $0x1000  }
0x46: {  	[sflag:s8] =	ssyncset.done $0x0  }
0x47: {  	[sflag:s8] =	ssyncadd.s32 $0xFFFFF000  }
0x48: {  	_ =	swait.ge [sflag:s8], $0x80  }
0x49: {  	[sflag:s8] =	ssyncset.done $0x0  }
0x4a: {  	[sflag:s8] =	ssyncadd.s32 $0xFFFFFF80  }
0x4b: {  	_ =	swait.ge [sflag:s8], $0x80  }
0x4c: {  	[sflag:s8] =	ssyncset.done $0x0  }
0x4d: {  	[sflag:s8] =	ssyncadd.s32 $0xFFFFFF80  }
0x4e: {  	_ =	swait.ge [sflag:s8], $0x1000  }
0x4f: {  	[sflag:s8] =	ssyncset.done $0x0  }
0x50: {  	[sflag:s8] =	ssyncadd.s32 $0xFFFFF000  }
0x51: {  	_ =	swait.ge [sflag:s8], $0x1000  }
0x52: {  	[sflag:s8] =	ssyncset.done $0x0  }
0x53: {  	[sflag:s8] =	ssyncadd.s32 $0xFFFFF000  }
0x54: {  	_ =	swait.ge [sflag:s8], $0x80  }
0x55: {  	[sflag:s8] =	ssyncset.done $0x0  }
0x56: {  	[sflag:s8] =	ssyncadd.s32 $0xFFFFFF80  }
0x57: {  	_ =	swait.ge [sflag:s8], $0x80  }
0x58: {  	[sflag:s8] =	ssyncset.done $0x0  }
0x59: {  	[sflag:s8] =	ssyncadd.s32 $0xFFFFFF80  }
0x5a: {  	_ =	swait.ge [sflag:s8], $0x1000  }
0x5b: {  	[sflag:s8] =	ssyncset.done $0x0  }
0x5c: {  	[sflag:s8] =	ssyncadd.s32 $0xFFFFF000  }
0x5d: {  	_ =	swait.ge [sflag:s8], $0x1000  }
0x5e: {  	[sflag:s8] =	ssyncset.done $0x0  }
0x5f: {  	[sflag:s8] =	ssyncadd.s32 $0xFFFFF000  }
0x60: {  	_ =	swait.ge [sflag:s8], $0x80  }
0x61: {  	[sflag:s8] =	ssyncset.done $0x0  }
0x62: {  	[sflag:s8] =	ssyncadd.s32 $0xFFFFFF80  }
0x63: {  	_ =	swait.ge [sflag:s8], $0x80  }
0x64: {  	[sflag:s8] =	ssyncset.done $0x0  }
0x65: {  	[sflag:s8] =	ssyncadd.s32 $0xFFFFFF80  }
0x66: {  	_ =	swait.ge [sflag:s8], $0x1000  }
0x67: {  	[sflag:s8] =	ssyncset.done $0x0  }
0x68: {  	[sflag:s8] =	ssyncadd.s32 $0xFFFFF000  }
0x69: {  	_ =	swait.ge [sflag:s8], $0x1000  }
0x6a: {  	[sflag:s8] =	ssyncset.done $0x0  }
0x6b: {  	[sflag:s8] =	ssyncadd.s32 $0xFFFFF000  }
0x6c: {  	_ =	swait.ge [sflag:s8], $0x80  }
0x6d: {  	[sflag:s8] =	ssyncset.done $0x0  }
0x6e: {  	[sflag:s8] =	ssyncadd.s32 $0xFFFFFF80  }
0x6f: {  	_ =	swait.ge [sflag:s8], $0x80  }
0x70: {  	[sflag:s8] =	ssyncset.done $0x0  }
0x71: {  	s1 =	rddreg [dreg:$0x8];
	[sflag:s8] =	ssyncadd.s32 $0xFFFFFF80  }
0x72: {  	[hbm4b:s1+s2] =	stream.linear.scatter [tilespmem:s7], [sflag:$0x2], $0x4000, $0x38;
	[tilespmem:$0x8800] =	vst v63  }
0x73: {  	_ =	swait.ge [sflag:s3], $0x4000  }
0x74: {  	[sflag:s3] =	ssyncset.done $0x0  }
0x75: {  	s1 =	rddreg [dreg:$0x9];
	[sflag:s3] =	ssyncadd.s32 $0xFFFFC000  }
0x76: {  	[hbm4b:s1+s2] =	stream.linear.scatter [tilespmem:s6], [sflag:$0x2], $0x4000, $0x38;
	[tilespmem:$0x8800] =	vst v63  }
0x77: {  	_ =	swait.ge [sflag:s3], $0x4000  }
0x78: {  	[sflag:s3] =	ssyncset.done $0x0  }
0x79: {  	s1 =	rddreg [dreg:$0xa];
	[sflag:s3] =	ssyncadd.s32 $0xFFFFC000  }
0x7a: {  	[hbm4b:s1+s2] =	stream.linear.scatter [tilespmem:s5], [sflag:$0x2], $0x200, $0x38;
	[tilespmem:$0x8800] =	vst v63  }
0x7b: {  	p1 =	sne.s32 s0, $0x1;
	_ =	swait.ge [sflag:s3], $0x200  }
.Ltmp1:
0x7c: {  	[sflag:s3] =	ssyncset.done $0x0;
	(pc) =	sbr.rel @!p1 .LBB2_3-.Ltmp1, $4  }
0x7d: {  	s1 =	rddreg [dreg:$0xb];
	[sflag:s3] =	ssyncadd.s32 $0xFFFFFE00  }
0x7e: {  	[hbm4b:s1+s2] =	stream.linear.scatter [tilespmem:s4], [sflag:$0x2], $0x200, $0x38;
	[tilespmem:$0x8800] =	vst v63  }
0x7f: {  	s0 =	sadd.s32 $0xFFFFFFFF, s0;
	_ =	swait.ge [sflag:s3], $0x200  }
0x80: {  	p0 =	por $0x1, $0x1;
	s1 =	rddreg [dreg:$0x6];
	[sflag:s3] =	ssyncset.done $0x0  }
.LBB2_2:
0x81: {  	[sflag:s3] =	ssyncadd.s32 $0xFFFFFE00  }
0x82: {  	[tilespmem:s2], [sflag:$0x2] =	stream.linear.gather [hbm4b:s1+s2], $0x200, $0x38;
	[tilespmem:$0x8800] =	vst v63  }
0x83: {  	_ =	swait.ge [sflag:s3], $0x200  }
0x84: {  	[sflag:s3] =	ssyncset.done $0x0  }
0x85: {  	s1 =	rddreg [dreg:$0x7];
	[sflag:s3] =	ssyncadd.s32 $0xFFFFFE00  }
0x86: {  	[tilespmem:s14], [sflag:$0x2] =	stream.linear.gather [hbm4b:s1+s2], $0x200, $0x38;
	[tilespmem:$0x8800] =	vst v63  }
0x87: {  	_ =	swait.ge [sflag:s3], $0x200  }
0x88: {  	[sflag:s3] =	ssyncset.done $0x0  }
0x89: {  	[sflag:s3] =	ssyncadd.s32 $0xFFFFFE00  }
0x8a: {  	[tilespmem:s7], [sflag:$0x1] =	stream.indirect.gather [hbm4b:s9+s13], $0x20, s2, s13, $0xb8;
	[tilespmem:$0x8800] =	vst v63  }
0x8b: {  	_ = 	snop  }
0x8c: {  	[tilespmem:s6], [sflag:$0x1] =	stream.indirect.gather [hbm4b:s10+s13], $0x20, s14, s13, $0xb8;
	[tilespmem:$0x8800] =	vst v63  }
0x8d: {  	_ = 	snop  }
0x8e: {  	[tilespmem:s5], [sflag:$0x1] =	stream.indirect.gather [hbm4b:s11+s13], $0x1, s2, s13, $0xb8;
	[tilespmem:$0x8800] =	vst v63  }
0x8f: {  	_ = 	snop  }
0x90: {  	[tilespmem:s4], [sflag:$0x1] =	stream.indirect.gather [hbm4b:s12+s13], $0x1, s14, s13, $0xb8;
	[tilespmem:$0x8800] =	vst v63  }
0x91: {  	s1 =	rddreg [dreg:$0xc]  }
0x92: {  	[tilespmem:s1], [sflag:$0x1] =	stream.indirect.gather [hbm4b:s9+s13], $0x20, s13, s13, $0xb8;
	[tilespmem:$0x8800] =	vst v63  }
0x93: {  	_ = 	snop  }
0x94: {  	[tilespmem:s18], [sflag:$0x1] =	stream.indirect.gather [hbm4b:s10+s13], $0x20, s15, s13, $0xb8;
	[tilespmem:$0x8800] =	vst v63  }
0x95: {  	_ = 	snop  }
0x96: {  	[tilespmem:s19], [sflag:$0x1] =	stream.indirect.gather [hbm4b:s11+s13], $0x1, s13, s13, $0xb8;
	[tilespmem:$0x8800] =	vst v63  }
0x97: {  	_ = 	snop  }
0x98: {  	[tilespmem:s20], [sflag:$0x1] =	stream.indirect.gather [hbm4b:s12+s13], $0x1, s15, s13, $0xb8;
	[tilespmem:$0x8800] =	vst v63  }
0x99: {  	_ = 	snop  }
0x9a: {  	[tilespmem:s22], [sflag:$0x1] =	stream.indirect.gather [hbm4b:s9+s13], $0x20, s16, s13, $0xb8;
	[tilespmem:$0x8800] =	vst v63  }
0x9b: {  	_ = 	snop  }
0x9c: {  	[tilespmem:s23], [sflag:$0x1] =	stream.indirect.gather [hbm4b:s10+s13], $0x20, s17, s13, $0xb8;
	[tilespmem:$0x8800] =	vst v63  }
0x9d: {  	_ = 	snop  }
0x9e: {  	[tilespmem:s24], [sflag:$0x1] =	stream.indirect.gather [hbm4b:s11+s13], $0x1, s16, s13, $0xb8;
	[tilespmem:$0x8800] =	vst v63  }
0x9f: {  	_ = 	snop  }
0xa0: {  	[tilespmem:s25], [sflag:$0x1] =	stream.indirect.gather [hbm4b:s12+s13], $0x1, s17, s13, $0xb8;
	[tilespmem:$0x8800] =	vst v63  }
0xa1: {  	_ = 	snop  }
0xa2: {  	[tilespmem:s28], [sflag:$0x1] =	stream.indirect.gather [hbm4b:s9+s13], $0x20, s21, s13, $0xb8;
	[tilespmem:$0x8800] =	vst v63  }
0xa3: {  	_ = 	snop  }
0xa4: {  	[tilespmem:s29], [sflag:$0x1] =	stream.indirect.gather [hbm4b:s10+s13], $0x20, s26, s13, $0xb8;
	[tilespmem:$0x8800] =	vst v63  }
0xa5: {  	_ = 	snop  }
0xa6: {  	[tilespmem:s30], [sflag:$0x1] =	stream.indirect.gather [hbm4b:s11+s13], $0x1, s21, s13, $0xb8;
	[tilespmem:$0x8800] =	vst v63  }
0xa7: {  	_ = 	snop  }
0xa8: {  	[tilespmem:s31], [sflag:$0x1] =	stream.indirect.gather [hbm4b:s12+s13], $0x1, s26, s13, $0xb8;
	[tilespmem:$0x8800] =	vst v63  }
0xa9: {  	_ =	swait.ge [sflag:s8], $0x1000  }
0xaa: {  	[sflag:s8] =	ssyncset.done $0x0  }
0xab: {  	[sflag:s8] =	ssyncadd.s32 $0xFFFFF000  }
0xac: {  	_ =	swait.ge [sflag:s8], $0x1000  }
0xad: {  	[sflag:s8] =	ssyncset.done $0x0  }
0xae: {  	[sflag:s8] =	ssyncadd.s32 $0xFFFFF000  }
0xaf: {  	_ =	swait.ge [sflag:s8], $0x80  }
0xb0: {  	[sflag:s8] =	ssyncset.done $0x0  }
0xb1: {  	[sflag:s8] =	ssyncadd.s32 $0xFFFFFF80  }
0xb2: {  	_ =	swait.ge [sflag:s8], $0x80  }
0xb3: {  	[sflag:s8] =	ssyncset.done $0x0  }
0xb4: {  	[sflag:s8] =	ssyncadd.s32 $0xFFFFFF80  }
0xb5: {  	_ =	swait.ge [sflag:s8], $0x1000  }
0xb6: {  	[sflag:s8] =	ssyncset.done $0x0  }
0xb7: {  	[sflag:s8] =	ssyncadd.s32 $0xFFFFF000  }
0xb8: {  	_ =	swait.ge [sflag:s8], $0x1000  }
0xb9: {  	[sflag:s8] =	ssyncset.done $0x0  }
0xba: {  	[sflag:s8] =	ssyncadd.s32 $0xFFFFF000  }
0xbb: {  	_ =	swait.ge [sflag:s8], $0x80  }
0xbc: {  	[sflag:s8] =	ssyncset.done $0x0  }
0xbd: {  	[sflag:s8] =	ssyncadd.s32 $0xFFFFFF80  }
0xbe: {  	_ =	swait.ge [sflag:s8], $0x80  }
0xbf: {  	[sflag:s8] =	ssyncset.done $0x0  }
0xc0: {  	[sflag:s8] =	ssyncadd.s32 $0xFFFFFF80  }
0xc1: {  	_ =	swait.ge [sflag:s8], $0x1000  }
0xc2: {  	[sflag:s8] =	ssyncset.done $0x0  }
0xc3: {  	[sflag:s8] =	ssyncadd.s32 $0xFFFFF000  }
0xc4: {  	_ =	swait.ge [sflag:s8], $0x1000  }
0xc5: {  	[sflag:s8] =	ssyncset.done $0x0  }
0xc6: {  	[sflag:s8] =	ssyncadd.s32 $0xFFFFF000  }
0xc7: {  	_ =	swait.ge [sflag:s8], $0x80  }
0xc8: {  	[sflag:s8] =	ssyncset.done $0x0  }
0xc9: {  	[sflag:s8] =	ssyncadd.s32 $0xFFFFFF80  }
0xca: {  	_ =	swait.ge [sflag:s8], $0x80  }
0xcb: {  	[sflag:s8] =	ssyncset.done $0x0  }
0xcc: {  	[sflag:s8] =	ssyncadd.s32 $0xFFFFFF80  }
0xcd: {  	_ =	swait.ge [sflag:s8], $0x1000  }
0xce: {  	[sflag:s8] =	ssyncset.done $0x0  }
0xcf: {  	[sflag:s8] =	ssyncadd.s32 $0xFFFFF000  }
0xd0: {  	_ =	swait.ge [sflag:s8], $0x1000  }
0xd1: {  	[sflag:s8] =	ssyncset.done $0x0  }
0xd2: {  	[sflag:s8] =	ssyncadd.s32 $0xFFFFF000  }
0xd3: {  	_ =	swait.ge [sflag:s8], $0x80  }
0xd4: {  	[sflag:s8] =	ssyncset.done $0x0  }
0xd5: {  	[sflag:s8] =	ssyncadd.s32 $0xFFFFFF80  }
0xd6: {  	_ =	swait.ge [sflag:s8], $0x80  }
0xd7: {  	[sflag:s8] =	ssyncset.done $0x0  }
0xd8: {  	s1 =	rddreg [dreg:$0x8];
	[sflag:s8] =	ssyncadd.s32 $0xFFFFFF80  }
0xd9: {  	[hbm4b:s1+s2] =	stream.linear.scatter [tilespmem:s7], [sflag:$0x2], $0x4000, $0x38;
	[tilespmem:$0x8800] =	vst v63  }
0xda: {  	_ =	swait.ge [sflag:s3], $0x4000  }
0xdb: {  	[sflag:s3] =	ssyncset.done $0x0  }
0xdc: {  	s1 =	rddreg [dreg:$0x9];
	[sflag:s3] =	ssyncadd.s32 $0xFFFFC000  }
0xdd: {  	[hbm4b:s1+s2] =	stream.linear.scatter [tilespmem:s6], [sflag:$0x2], $0x4000, $0x38;
	[tilespmem:$0x8800] =	vst v63  }
0xde: {  	_ =	swait.ge [sflag:s3], $0x4000  }
0xdf: {  	[sflag:s3] =	ssyncset.done $0x0  }
0xe0: {  	s1 =	rddreg [dreg:$0xa];
	[sflag:s3] =	ssyncadd.s32 $0xFFFFC000  }
0xe1: {  	[hbm4b:s1+s2] =	stream.linear.scatter [tilespmem:s5], [sflag:$0x2], $0x200, $0x38;
	[tilespmem:$0x8800] =	vst v63  }
0xe2: {  	p1 =	sne.s32 s0, $0x1;
	_ =	swait.ge [sflag:s3], $0x200  }
.Ltmp2:
0xe3: {  	[sflag:s3] =	ssyncset.done $0x0;
	(pc) =	sbr.rel @p1 .LBB2_2-.Ltmp2, $4  }
0xe4: {  	s1 =	rddreg [dreg:$0xb];
	[sflag:s3] =	ssyncadd.s32 $0xFFFFFE00  }
0xe5: {  	[hbm4b:s1+s2] =	stream.linear.scatter [tilespmem:s4], [sflag:$0x2], $0x200, $0x38;
	[tilespmem:$0x8800] =	vst v63  }
0xe6: {  	_ =	swait.ge [sflag:s3], $0x200  }
0xe7: {  	s0 =	sadd.s32 $0xFFFFFFFF, s0;
	s1 =	rddreg [dreg:$0x6];
	[sflag:s3] =	ssyncset.done $0x0  }
.LBB2_3:
0xe8: {  	[sflag:s3] =	ssyncadd.s32 @p0 $0xFFFFFE00  }
0xe9: {  	[tilespmem:s2], [sflag:$0x2] =	stream.linear.gather [hbm4b:s1+s2], $0x200, $0x38;
	[tilespmem:$0x8800] =	vst v63  }
0xea: {  	_ =	swait.ge [sflag:s3], $0x200  }
0xeb: {  	[sflag:s3] =	ssyncset.done $0x0  }
0xec: {  	s0 =	rddreg [dreg:$0x7];
	[sflag:s3] =	ssyncadd.s32 $0xFFFFFE00  }
0xed: {  	[tilespmem:s14], [sflag:$0x2] =	stream.linear.gather [hbm4b:s0+s2], $0x200, $0x38;
	[tilespmem:$0x8800] =	vst v63  }
0xee: {  	_ =	swait.ge [sflag:s3], $0x200  }
0xef: {  	[sflag:s3] =	ssyncset.done $0x0  }
0xf0: {  	[sflag:s3] =	ssyncadd.s32 $0xFFFFFE00  }
0xf1: {  	[tilespmem:s7], [sflag:$0x1] =	stream.indirect.gather [hbm4b:s9+s13], $0x20, s2, s13, $0xb8;
	[tilespmem:$0x8800] =	vst v63  }
0xf2: {  	_ = 	snop  }
0xf3: {  	[tilespmem:s6], [sflag:$0x1] =	stream.indirect.gather [hbm4b:s10+s13], $0x20, s14, s13, $0xb8;
	[tilespmem:$0x8800] =	vst v63  }
0xf4: {  	_ = 	snop  }
0xf5: {  	[tilespmem:s5], [sflag:$0x1] =	stream.indirect.gather [hbm4b:s11+s13], $0x1, s2, s13, $0xb8;
	[tilespmem:$0x8800] =	vst v63  }
0xf6: {  	_ = 	snop  }
0xf7: {  	[tilespmem:s4], [sflag:$0x1] =	stream.indirect.gather [hbm4b:s12+s13], $0x1, s14, s13, $0xb8;
	[tilespmem:$0x8800] =	vst v63  }
0xf8: {  	s1 =	rddreg [dreg:$0xc]  }
0xf9: {  	[tilespmem:s1], [sflag:$0x1] =	stream.indirect.gather [hbm4b:s9+s13], $0x20, s13, s13, $0xb8;
	[tilespmem:$0x8800] =	vst v63  }
0xfa: {  	_ = 	snop  }
0xfb: {  	[tilespmem:s18], [sflag:$0x1] =	stream.indirect.gather [hbm4b:s10+s13], $0x20, s15, s13, $0xb8;
	[tilespmem:$0x8800] =	vst v63  }
0xfc: {  	_ = 	snop  }
0xfd: {  	[tilespmem:s19], [sflag:$0x1] =	stream.indirect.gather [hbm4b:s11+s13], $0x1, s13, s13, $0xb8;
	[tilespmem:$0x8800] =	vst v63  }
0xfe: {  	_ = 	snop  }
0xff: {  	[tilespmem:s20], [sflag:$0x1] =	stream.indirect.gather [hbm4b:s12+s13], $0x1, s15, s13, $0xb8;
	[tilespmem:$0x8800] =	vst v63  }
0x100: {  	_ = 	snop  }
0x101: {  	[tilespmem:s22], [sflag:$0x1] =	stream.indirect.gather [hbm4b:s9+s13], $0x20, s16, s13, $0xb8;
	[tilespmem:$0x8800] =	vst v63  }
0x102: {  	_ = 	snop  }
0x103: {  	[tilespmem:s23], [sflag:$0x1] =	stream.indirect.gather [hbm4b:s10+s13], $0x20, s17, s13, $0xb8;
	[tilespmem:$0x8800] =	vst v63  }
0x104: {  	_ = 	snop  }
0x105: {  	[tilespmem:s24], [sflag:$0x1] =	stream.indirect.gather [hbm4b:s11+s13], $0x1, s16, s13, $0xb8;
	[tilespmem:$0x8800] =	vst v63  }
0x106: {  	_ = 	snop  }
0x107: {  	[tilespmem:s25], [sflag:$0x1] =	stream.indirect.gather [hbm4b:s12+s13], $0x1, s17, s13, $0xb8;
	[tilespmem:$0x8800] =	vst v63  }
0x108: {  	_ = 	snop  }
0x109: {  	[tilespmem:s28], [sflag:$0x1] =	stream.indirect.gather [hbm4b:s9+s13], $0x20, s21, s13, $0xb8;
	[tilespmem:$0x8800] =	vst v63  }
0x10a: {  	_ = 	snop  }
0x10b: {  	[tilespmem:s29], [sflag:$0x1] =	stream.indirect.gather [hbm4b:s10+s13], $0x20, s26, s13, $0xb8;
	[tilespmem:$0x8800] =	vst v63  }
0x10c: {  	_ = 	snop  }
0x10d: {  	[tilespmem:s30], [sflag:$0x1] =	stream.indirect.gather [hbm4b:s11+s13], $0x1, s21, s13, $0xb8;
	[tilespmem:$0x8800] =	vst v63  }
0x10e: {  	_ = 	snop  }
0x10f: {  	[tilespmem:s31], [sflag:$0x1] =	stream.indirect.gather [hbm4b:s12+s13], $0x1, s26, s13, $0xb8;
	[tilespmem:$0x8800] =	vst v63  }
0x110: {  	_ =	swait.ge [sflag:s8], $0x1000  }
0x111: {  	[sflag:s8] =	ssyncset.done $0x0  }
0x112: {  	[sflag:s8] =	ssyncadd.s32 $0xFFFFF000  }
0x113: {  	_ =	swait.ge [sflag:s8], $0x1000  }
0x114: {  	[sflag:s8] =	ssyncset.done $0x0  }
0x115: {  	[sflag:s8] =	ssyncadd.s32 $0xFFFFF000  }
0x116: {  	_ =	swait.ge [sflag:s8], $0x80  }
0x117: {  	[sflag:s8] =	ssyncset.done $0x0  }
0x118: {  	[sflag:s8] =	ssyncadd.s32 $0xFFFFFF80  }
0x119: {  	_ =	swait.ge [sflag:s8], $0x80  }
0x11a: {  	[sflag:s8] =	ssyncset.done $0x0  }
0x11b: {  	[sflag:s8] =	ssyncadd.s32 $0xFFFFFF80  }
0x11c: {  	_ =	swait.ge [sflag:s8], $0x1000  }
0x11d: {  	[sflag:s8] =	ssyncset.done $0x0  }
0x11e: {  	[sflag:s8] =	ssyncadd.s32 $0xFFFFF000  }
0x11f: {  	_ =	swait.ge [sflag:s8], $0x1000  }
0x120: {  	[sflag:s8] =	ssyncset.done $0x0  }
0x121: {  	[sflag:s8] =	ssyncadd.s32 $0xFFFFF000  }
0x122: {  	_ =	swait.ge [sflag:s8], $0x80  }
0x123: {  	[sflag:s8] =	ssyncset.done $0x0  }
0x124: {  	[sflag:s8] =	ssyncadd.s32 $0xFFFFFF80  }
0x125: {  	_ =	swait.ge [sflag:s8], $0x80  }
0x126: {  	[sflag:s8] =	ssyncset.done $0x0  }
0x127: {  	[sflag:s8] =	ssyncadd.s32 $0xFFFFFF80  }
0x128: {  	_ =	swait.ge [sflag:s8], $0x1000  }
0x129: {  	[sflag:s8] =	ssyncset.done $0x0  }
0x12a: {  	[sflag:s8] =	ssyncadd.s32 $0xFFFFF000  }
0x12b: {  	_ =	swait.ge [sflag:s8], $0x1000  }
0x12c: {  	[sflag:s8] =	ssyncset.done $0x0  }
0x12d: {  	[sflag:s8] =	ssyncadd.s32 $0xFFFFF000  }
0x12e: {  	_ =	swait.ge [sflag:s8], $0x80  }
0x12f: {  	[sflag:s8] =	ssyncset.done $0x0  }
0x130: {  	[sflag:s8] =	ssyncadd.s32 $0xFFFFFF80  }
0x131: {  	_ =	swait.ge [sflag:s8], $0x80  }
0x132: {  	[sflag:s8] =	ssyncset.done $0x0  }
0x133: {  	[sflag:s8] =	ssyncadd.s32 $0xFFFFFF80  }
0x134: {  	_ =	swait.ge [sflag:s8], $0x1000  }
0x135: {  	[sflag:s8] =	ssyncset.done $0x0  }
0x136: {  	[sflag:s8] =	ssyncadd.s32 $0xFFFFF000  }
0x137: {  	_ =	swait.ge [sflag:s8], $0x1000  }
0x138: {  	[sflag:s8] =	ssyncset.done $0x0  }
0x139: {  	[sflag:s8] =	ssyncadd.s32 $0xFFFFF000  }
0x13a: {  	_ =	swait.ge [sflag:s8], $0x80  }
0x13b: {  	[sflag:s8] =	ssyncset.done $0x0  }
0x13c: {  	[sflag:s8] =	ssyncadd.s32 $0xFFFFFF80  }
0x13d: {  	_ =	swait.ge [sflag:s8], $0x80  }
0x13e: {  	[sflag:s8] =	ssyncset.done $0x0  }
0x13f: {  	s26 =	rddreg [dreg:$0x8];
	[sflag:s8] =	ssyncadd.s32 $0xFFFFFF80  }
0x140: {  	[hbm4b:s26+s2] =	stream.linear.scatter [tilespmem:s7], [sflag:$0x2], $0x4000, $0x38;
	[tilespmem:$0x8800] =	vst v63  }
0x141: {  	_ =	swait.ge [sflag:s3], $0x4000  }
0x142: {  	[sflag:s3] =	ssyncset.done $0x0  }
0x143: {  	s28 =	rddreg [dreg:$0x9];
	[sflag:s3] =	ssyncadd.s32 $0xFFFFC000  }
0x144: {  	[hbm4b:s28+s2] =	stream.linear.scatter [tilespmem:s6], [sflag:$0x2], $0x4000, $0x38;
	[tilespmem:$0x8800] =	vst v63  }
0x145: {  	_ =	swait.ge [sflag:s3], $0x4000  }
0x146: {  	[sflag:s3] =	ssyncset.done $0x0  }
0x147: {  	s29 =	rddreg [dreg:$0xa];
	[sflag:s3] =	ssyncadd.s32 $0xFFFFC000  }
0x148: {  	[hbm4b:s29+s2] =	stream.linear.scatter [tilespmem:s5], [sflag:$0x2], $0x200, $0x38;
	[tilespmem:$0x8800] =	vst v63  }
0x149: {  	_ =	swait.ge [sflag:s3], $0x200  }
0x14a: {  	[sflag:s3] =	ssyncset.done $0x0  }
0x14b: {  	s30 =	rddreg [dreg:$0xb];
	[sflag:s3] =	ssyncadd.s32 $0xFFFFFE00  }
0x14c: {  	[hbm4b:s30+s2] =	stream.linear.scatter [tilespmem:s4], [sflag:$0x2], $0x200, $0x38;
	[tilespmem:$0x8800] =	vst v63  }
0x14d: {  	_ =	swait.ge [sflag:s3], $0x200  }
0x14e: {  	[sflag:s3] =	ssyncset.done $0x0  }
0x14f: {  	[sflag:s3] =	ssyncadd.s32 $0xFFFFFE00  }
0x150: {  	_ =	sfence.sel $0x180000  }
0x151: {  	[bflag:$0x0] =	sbarrier.arrive $0xFFFF  }
0x152: {  	_ =	strace $0x90000047  }
0x153: {  	s31 =	stileid.u32;
	[bflag:$0x2] =	sbarrier.arrive $0xFFFF  }
0x154: {  	p0 =	sne.s32 s31, $0x0;
	s0 =	rddreg [dreg:$0x5]  }
0x155: {  	s0 =	sadd.s32 @!p0 $0x100000, s0  }
0x156: {  	[sflag:s0] =	ssyncadd.tile.s32 @!p0 $0x1;
	_ =	shalt  }
.Lfunc_end2:
_tile_overlayer_lowered:
.L_overlay_start_2:
0x157: {  	(tag) =	ssettag $0x2  }
0x158: {  	s0 =	rddreg [dreg:$0x0];
	s2 =	stileid.u32  }
0x159: {  	s1 =	rddreg [dreg:$0x1];
	p0 =	sne.s32 s2, $0x0  }
0x15a: {  	s3 =	rddreg [dreg:$0x2];
	[bflag:$0x3] =	sbarrier.arrive $0xFFFF;
	s2 =	simm.s32 @!p0 $0x1C02  }
0x15b: {  	[timem:s3], [sflag:s2] =	dma.local @!p0 [hbm:s0], s1  }
0x15c: {  	s0 =	simm.s32 @!p0 $0x2  }
0x15d: {  	_ =	swait.ge @!p0 [sflag:s0], s1  }
0x15e: {  	s1 =	ssub.s32 @!p0 $0x0, s1;
	[sflag:s0] =	ssyncset.done @!p0 $0x0  }
0x15f: {  	[sflag:s0] =	ssyncadd.s32 @!p0 s1  }
0x160: {  	[bflag:$0x3] =	sbarrier.arrive $0xFFFF  }
0x161: {  	_ =	shalt  }

</sc_bundles>
